<compile_context>
chip_gen: v7x
topology: tpu7x:2x2x1
jax: 0.10.2.dev20260603
libtpu: 0.0.44.dev20260713+nightly
codegen_flags: <defaults>
</compile_context>

<pallas_src>
import functools

import jax
import jax.numpy as jnp
from jax import lax
from jax.experimental import pallas as pl
from jax.experimental.pallas import tpu as pltpu
from jax.experimental.pallas import tpu_sc as plsc

_NC = 2
_NS = 16
_L = 16

_B = 128
_K = 20


def _proj_body(x_ref, w_ref, asrc_ref, adst_ref, sel_ref, xe_ref, ad2_ref):
    xp = jnp.dot(x_ref[...], w_ref[...], preferred_element_type=jnp.float32)
    a_s = jnp.dot(xp * asrc_ref[...], sel_ref[...],
                  preferred_element_type=jnp.float32)
    a_d = jnp.dot(xp * adst_ref[...], sel_ref[...],
                  preferred_element_type=jnp.float32)
    xe_ref[...] = jnp.concatenate([xp, a_s], axis=1)
    ad2_ref[...] = jnp.concatenate([a_d, a_d], axis=1)


def _final_body(acc_ref, xe_ref, ad2_ref, bias_ref, selt_ref, out_ref):
    s = acc_ref[0] + acc_ref[1]
    num = s[:, :128]
    den8 = s[:, 128:136]
    al = xe_ref[:, 128:136] + ad2_ref[:, :8]
    wself = jnp.exp(jnp.maximum(al, 0.2 * al))
    den = jnp.dot(den8 + wself, selt_ref[...],
                  preferred_element_type=jnp.float32)
    wbar = jnp.dot(wself, selt_ref[...],
                   preferred_element_type=jnp.float32)
    o = (num + wbar * xe_ref[:, :128]) / den + bias_ref[...]
    out_ref[...] = jnp.maximum(o, 0.0)


def _make_sc_call(n, hc, ext, n_acc, chunks, heads, k):
    rows_per_tile = n_acc // _NS
    mesh = plsc.VectorSubcoreMesh(core_axis_name="c", subcore_axis_name="s")

    @functools.partial(
        pl.kernel,
        out_type=jax.ShapeDtypeStruct((_NC, n_acc, ext), jnp.float32),
        mesh=mesh,
        scratch_types=[
            pltpu.VMEM((k, _B), jnp.int32),
            pltpu.VMEM((k, _B), jnp.int32),
            pltpu.VMEM((_B, ext), jnp.float32),
            pltpu.VMEM((_B, _L), jnp.float32),
            pltpu.VMEM((_B, ext), jnp.float32),
            pltpu.VMEM((_B, _L), jnp.float32),
            pltpu.VMEM_SHARED((n_acc, ext), jnp.float32),
            pltpu.SemaphoreType.DMA,
            pltpu.SemaphoreType.DMA,
            pltpu.SemaphoreType.DMA,
            pltpu.SemaphoreType.DMA,
        ],
        compiler_params=pltpu.CompilerParams(use_tc_tiling_on_sc=False),
    )
    def sc_call(xe_hbm, ad2_hbm, src_hbm, dst_hbm, zero_hbm, out_hbm,
                sidxg, didxg, rows0, adrows0, rows1, adrows1,
                acc, gsem0, asem0, gsem1, asem1):
        cid = lax.axis_index("c")
        sid = lax.axis_index("s")
        wid = cid * _NS + sid
        r0 = sid * rows_per_tile
        rowbase = wid * chunks
        bufs = ((rows0, adrows0, gsem0, asem0),
                (rows1, adrows1, gsem1, asem1))

        def fetch_group(g):
            rb = rowbase + g * k
            pltpu.sync_copy(src_hbm.at[pl.ds(rb, k)], sidxg)
            pltpu.sync_copy(dst_hbm.at[pl.ds(rb, k)], didxg)

        def issue(jj, buf):
            rows, adrows, gsem, asem = buf
            pltpu.async_copy(xe_hbm.at[sidxg.at[jj]], rows, gsem)
            pltpu.async_copy(ad2_hbm.at[didxg.at[jj]], adrows, asem)

        fetch_group(0)
        issue(0, bufs[0])
        issue(1, bufs[1])
        pltpu.sync_copy(zero_hbm, acc.at[pl.ds(r0, rows_per_tile)])
        plsc.subcore_barrier()

        lanes = lax.iota(jnp.int32, _L)
        hsplat = [jnp.full((_L,), 8 + h, dtype=jnp.int32) for h in range(heads)]
        idx_hi = lax.rem(lanes, jnp.int32(8)) + 8

        def do_chunk(jj, b):
            rows, adrows, gsem, asem = bufs[b]
            pltpu.make_async_copy(xe_hbm.at[sidxg.at[jj]], rows, gsem).wait()
            pltpu.make_async_copy(
                ad2_hbm.at[didxg.at[jj]], adrows, asem).wait()

            @plsc.parallel_loop(0, _B, 1, unroll=4)
            def edge(bb):
                av = rows[bb, pl.ds(hc - 8, _L)]
                dv = adrows[bb, :]
                al = av + dv
                wv = jnp.exp(jnp.maximum(al, 0.2 * al))
                for h in range(heads - 1):
                    sp = wv.at[hsplat[h]].get(mode="promise_in_bounds")
                    rows[bb, pl.ds(h * _L, _L)] = (
                        rows[bb, pl.ds(h * _L, _L)] * sp)
                sp7 = wv.at[hsplat[heads - 1]].get(mode="promise_in_bounds")
                scaled7 = rows[bb, pl.ds(hc - _L, _L)] * sp7
                rows[bb, pl.ds(hc - _L, _L)] = scaled7
                hi = scaled7.at[idx_hi].get(mode="promise_in_bounds")
                rows[bb, pl.ds(hc - 8, _L)] = jnp.where(lanes < 8, hi, wv)

            pltpu.sync_copy(rows, acc.at[didxg.at[jj]], add=True)

            @pl.when(jj < k - 2)
            def _():
                issue(jj + 2, bufs[b])

        def pair(c2, carry):
            cur0 = 2 * c2
            jj0 = lax.rem(cur0, k)
            do_chunk(jj0, 0)
            do_chunk(jj0 + 1, 1)

            @pl.when(jnp.logical_and(jj0 + 1 == k - 1, cur0 + 2 < chunks))
            def _():
                fetch_group((cur0 + 2) // k)
                issue(0, bufs[0])
                issue(1, bufs[1])
            return carry

        lax.fori_loop(0, chunks // 2, pair, 0)
        plsc.subcore_barrier()
        pltpu.sync_copy(acc.at[pl.ds(r0, rows_per_tile)],
                        out_hbm.at[cid, pl.ds(r0, rows_per_tile)])

    return sc_call


def kernel(x, edge_index, W, att_src, att_dst, bias):
    n, in_ch = x.shape
    heads, ch = att_src.shape
    hc = heads * ch
    ext = hc + heads
    e = edge_index.shape[1]

    ept = -(-e // (_NC * _NS * _K * _B)) * _K * _B
    e_pad = ept * _NC * _NS
    n_acc = -(-(n + 1) // (_NS * 8)) * (_NS * 8)

    sel = (jnp.arange(hc, dtype=jnp.int32)[:, None] // ch
           == jnp.arange(heads, dtype=jnp.int32)[None, :]).astype(jnp.float32)

    r = 1000
    xe, ad2 = pl.pallas_call(
        _proj_body,
        grid=(n // r,),
        in_specs=[
            pl.BlockSpec((r, in_ch), lambda i: (i, 0)),
            pl.BlockSpec((in_ch, hc), lambda i: (0, 0)),
            pl.BlockSpec((1, hc), lambda i: (0, 0)),
            pl.BlockSpec((1, hc), lambda i: (0, 0)),
            pl.BlockSpec((hc, heads), lambda i: (0, 0)),
        ],
        out_specs=[
            pl.BlockSpec((r, ext), lambda i: (i, 0)),
            pl.BlockSpec((r, 2 * heads), lambda i: (i, 0)),
        ],
        out_shape=[
            jax.ShapeDtypeStruct((n, ext), jnp.float32),
            jax.ShapeDtypeStruct((n, 2 * heads), jnp.float32),
        ],
    )(x, W, att_src.reshape(1, hc), att_dst.reshape(1, hc), sel)

    pad = e_pad - e
    pad_i = jnp.arange(pad, dtype=jnp.int32)
    if e % _B == 0:
        srcp = jnp.concatenate(
            [edge_index[0].reshape(e // _B, _B),
             (pad_i % n).reshape(pad // _B, _B)], axis=0)
        dstp = jnp.concatenate(
            [edge_index[1].reshape(e // _B, _B),
             (n + pad_i % (n_acc - n)).reshape(pad // _B, _B)], axis=0)
    else:
        srcp = jnp.concatenate(
            [edge_index[0], pad_i % n]).reshape(e_pad // _B, _B)
        dstp = jnp.concatenate(
            [edge_index[1], n + pad_i % (n_acc - n)]).reshape(e_pad // _B, _B)
    zero = jnp.zeros((n_acc // _NS, ext), dtype=jnp.float32)

    sc_call = _make_sc_call(n, hc, ext, n_acc, ept // _B, heads, _K)
    acc = sc_call(xe, ad2, srcp, dstp, zero)

    out = pl.pallas_call(
        _final_body,
        grid=(n // r,),
        in_specs=[
            pl.BlockSpec((_NC, r, ext), lambda i: (0, i, 0)),
            pl.BlockSpec((r, ext), lambda i: (i, 0)),
            pl.BlockSpec((r, 2 * heads), lambda i: (i, 0)),
            pl.BlockSpec((1, hc), lambda i: (0, 0)),
            pl.BlockSpec((heads, hc), lambda i: (0, 0)),
        ],
        out_specs=pl.BlockSpec((r, hc), lambda i: (i, 0)),
        out_shape=jax.ShapeDtypeStruct((n, hc), jnp.float32),
    )(acc, xe, ad2, bias.reshape(1, hc), sel.T)

    return out

# --- scband reference (transcript-rebuilt; emitter-appended) ---
"""Pipeline reference for scband-gatconv-26414048871032 (READ-ONLY COPY).

The authoritative reference and input builder live on the scoring server;
editing this copy changes nothing except your own understanding.
"""

import jax, jax.numpy as jnp
import numpy as np

N = 10000
E = 320000
IN_CH = 128
HEADS = 8
OUT_CH = 16


def setup_inputs(seed: int = 0) -> dict:
    key = jax.random.key(seed)
    k1, k2, k3, k4, k5 = jax.random.split(key, 5)
    x = jax.random.normal(k1, (N, IN_CH), dtype=jnp.float32)
    edge_index = jax.random.randint(k2, (2, E), 0, N, dtype=jnp.int32)
    W = jax.random.normal(k3, (IN_CH, HEADS * OUT_CH), dtype=jnp.float32) * (1.0 / np.sqrt(IN_CH))
    att_src = jax.random.normal(k4, (HEADS, OUT_CH), dtype=jnp.float32) * 0.1
    att_dst = jax.random.normal(k5, (HEADS, OUT_CH), dtype=jnp.float32) * 0.1
    bias = jnp.zeros((HEADS * OUT_CH,), dtype=jnp.float32)
    return {"x": x, "edge_index": edge_index, "W": W, "att_src": att_src, "att_dst": att_dst, "bias": bias}


def reference(x, edge_index, W, att_src, att_dst, bias):
    n = x.shape[0]
    H, C = att_src.shape
    # PyG GATConv default: add self loops
    loop = jnp.arange(n, dtype=edge_index.dtype)
    src = jnp.concatenate([edge_index[0], loop])
    dst = jnp.concatenate([edge_index[1], loop])
    # linear projection per head
    xp = (x @ W).reshape(n, H, C)
    # per-node attention logits
    a_src = jnp.sum(xp * att_src[None, :, :], axis=-1)  # [N, H]
    a_dst = jnp.sum(xp * att_dst[None, :, :], axis=-1)  # [N, H]
    # per-edge attention (gather)
    alpha = a_src[src] + a_dst[dst]  # [E', H]
    alpha = jax.nn.leaky_relu(alpha, negative_slope=0.2)
    # segment softmax over incoming edges of each dst node
    m = jax.ops.segment_max(alpha, dst, num_segments=n)
    m = jnp.where(jnp.isfinite(m), m, 0.0)
    ex = jnp.exp(alpha - m[dst])
    denom = jax.ops.segment_sum(ex, dst, num_segments=n)
    att = ex / jnp.maximum(denom[dst], 1e-16)
    # weighted message aggregation (gather source feats, scatter-add to dst)
    msg = xp[src] * att[:, :, None]  # [E', H, C]
    out = jax.ops.segment_sum(msg, dst, num_segments=n)  # [N, H, C]
    out = out.reshape(n, H * C) + bias
    # unlinear: relu activation, no norm
    return jax.nn.relu(out)

if __name__ == "__main__":
    import jax
    _d = setup_inputs()
    print(jax.jit(kernel)(*tuple(_d.values())))

</pallas_src>

<mosaic_0001>
#map = affine_map<(d0, d1) -> (0, 0)>
#map1 = affine_map<(d0, d1) -> (0, 0, 0)>
module attributes {stable_mosaic.version = 14 : i64} {
  func.func @sc_call(%arg0: i32, %arg1: i32, %arg2: memref<10000x136xf32, #tpu.memory_space<hbm>>, %arg3: memref<10000x16xf32, #tpu.memory_space<hbm>>, %arg4: memref<2560x128xi32, #tpu.memory_space<hbm>>, %arg5: memref<2560x128xi32, #tpu.memory_space<hbm>>, %arg6: memref<632x136xf32, #tpu.memory_space<hbm>>, %arg7: memref<2x10112x136xf32, #tpu.memory_space<hbm>>, %arg8: memref<20x128xi32, #tpu.memory_space<vmem>>, %arg9: memref<20x128xi32, #tpu.memory_space<vmem>>, %arg10: memref<128x136xf32, #tpu.memory_space<vmem>>, %arg11: memref<128x16xf32, #tpu.memory_space<vmem>>, %arg12: memref<128x136xf32, #tpu.memory_space<vmem>>, %arg13: memref<128x16xf32, #tpu.memory_space<vmem>>, %arg14: memref<10112x136xf32, #tpu.memory_space<vmem_shared>>, %arg15: memref<!tpu.dma_semaphore, #tpu.memory_space<semaphore_mem>>, %arg16: memref<!tpu.dma_semaphore, #tpu.memory_space<semaphore_mem>>, %arg17: memref<!tpu.dma_semaphore, #tpu.memory_space<semaphore_mem>>, %arg18: memref<!tpu.dma_semaphore, #tpu.memory_space<semaphore_mem>>) attributes {dimension_semantics = [#tpu.dimension_semantics<core_parallel>, #tpu.dimension_semantics<subcore_parallel>], iteration_bounds = array<i64: 2, 16>, scalar_prefetch = 0 : i64, scratch_operands = 11 : i64, tpu.core_type = #tpu.core_type<sc_vector_subcore>, window_params = [{transform_indices = #map}, {transform_indices = #map}, {transform_indices = #map}, {transform_indices = #map}, {transform_indices = #map}, {transform_indices = #map1}]} {
    %mul3A = arith.constant 16 : i32
    %mul3A_0 = arith.muli %arg0, %mul3A : i32
    %add3A = arith.addi %mul3A_0, %arg1 : i32
    %mul3A_1 = arith.constant 632 : i32
    %mul3A_2 = arith.muli %arg1, %mul3A_1 : i32
    %mul3A_3 = arith.constant 80 : i32
    %mul3A_4 = arith.muli %add3A, %mul3A_3 : i32
    %add3A_5 = arith.constant 0 : i32
    %add3A_6 = arith.addi %mul3A_4, %add3A_5 : i32
    "tpu.region"() ({
      %run_scoped3A = tpu.sem_alloc : memref<!tpu.dma_semaphore, #tpu.memory_space<semaphore_mem>>
      %dma_start3A_60 = arith.constant 0 : i32
      %dma_start3A_61 = tpu.memref_slice %arg4[%add3A_6, %dma_start3A_60] : memref<2560x128xi32, #tpu.memory_space<hbm>> -> memref<20x128xi32, #tpu.memory_space<hbm>>
      %dma_start3A_62 = arith.constant 0 : i32
      %dma_start3A_63 = tpu.memref_slice %arg4[%add3A_6, %dma_start3A_62] : memref<2560x128xi32, #tpu.memory_space<hbm>> -> memref<20x128xi32, #tpu.memory_space<hbm>>
      tpu.enqueue_dma source(%dma_start3A_63 : memref<20x128xi32, #tpu.memory_space<hbm>>) target(%arg8 : memref<20x128xi32, #tpu.memory_space<vmem>>) target_semaphore(%run_scoped3A : memref<!tpu.dma_semaphore, #tpu.memory_space<semaphore_mem>>)
      %dma_wait3A = arith.constant 0 : i32
      %dma_wait3A_64 = tpu.memref_slice %arg4[%add3A_6, %dma_wait3A] : memref<2560x128xi32, #tpu.memory_space<hbm>> -> memref<20x128xi32, #tpu.memory_space<hbm>>
      %dma_wait3A_65 = arith.constant 0 : i32
      %dma_wait3A_66 = tpu.memref_slice %arg4[%add3A_6, %dma_wait3A_65] : memref<2560x128xi32, #tpu.memory_space<hbm>> -> memref<20x128xi32, #tpu.memory_space<hbm>>
      tpu.wait_dma2 semaphore(%run_scoped3A : memref<!tpu.dma_semaphore, #tpu.memory_space<semaphore_mem>>) src(%dma_wait3A_66 : memref<20x128xi32, #tpu.memory_space<hbm>>) dst(%arg8 : memref<20x128xi32, #tpu.memory_space<vmem>>)
      tpu.yield
    }) : () -> ()
    "tpu.region"() ({
      %run_scoped3A = tpu.sem_alloc : memref<!tpu.dma_semaphore, #tpu.memory_space<semaphore_mem>>
      %dma_start3A_60 = arith.constant 0 : i32
      %dma_start3A_61 = tpu.memref_slice %arg5[%add3A_6, %dma_start3A_60] : memref<2560x128xi32, #tpu.memory_space<hbm>> -> memref<20x128xi32, #tpu.memory_space<hbm>>
      %dma_start3A_62 = arith.constant 0 : i32
      %dma_start3A_63 = tpu.memref_slice %arg5[%add3A_6, %dma_start3A_62] : memref<2560x128xi32, #tpu.memory_space<hbm>> -> memref<20x128xi32, #tpu.memory_space<hbm>>
      tpu.enqueue_dma source(%dma_start3A_63 : memref<20x128xi32, #tpu.memory_space<hbm>>) target(%arg9 : memref<20x128xi32, #tpu.memory_space<vmem>>) target_semaphore(%run_scoped3A : memref<!tpu.dma_semaphore, #tpu.memory_space<semaphore_mem>>)
      %dma_wait3A = arith.constant 0 : i32
      %dma_wait3A_64 = tpu.memref_slice %arg5[%add3A_6, %dma_wait3A] : memref<2560x128xi32, #tpu.memory_space<hbm>> -> memref<20x128xi32, #tpu.memory_space<hbm>>
      %dma_wait3A_65 = arith.constant 0 : i32
      %dma_wait3A_66 = tpu.memref_slice %arg5[%add3A_6, %dma_wait3A_65] : memref<2560x128xi32, #tpu.memory_space<hbm>> -> memref<20x128xi32, #tpu.memory_space<hbm>>
      tpu.wait_dma2 semaphore(%run_scoped3A : memref<!tpu.dma_semaphore, #tpu.memory_space<semaphore_mem>>) src(%dma_wait3A_66 : memref<20x128xi32, #tpu.memory_space<hbm>>) dst(%arg9 : memref<20x128xi32, #tpu.memory_space<vmem>>)
      tpu.yield
    }) : () -> ()
    %dma_start3A = arith.constant 0 : i32
    %dma_start3A_7 = arith.constant 0 : i32
    %dma_start3A_8 = tpu.memref_slice %arg8[%dma_start3A, %dma_start3A_7] : memref<20x128xi32, #tpu.memory_space<vmem>> -> memref<1x128xi32, #tpu.memory_space<vmem>>
    %dma_start3A_9 = tpu.memref_squeeze %dma_start3A_8 : memref<1x128xi32, #tpu.memory_space<vmem>> -> memref<128xi32, #tpu.memory_space<vmem>>
    %dma_start3A_10 = arith.constant 0 : i32
    %dma_start3A_11 = arith.constant 0 : i32
    %dma_start3A_12 = tpu.memref_slice %arg2[%dma_start3A_10, %dma_start3A_11] : memref<10000x136xf32, #tpu.memory_space<hbm>> -> memref<10000x136xf32, #tpu.memory_space<hbm>>
    tpu.enqueue_indirect_dma source(%dma_start3A_12 : memref<10000x136xf32, #tpu.memory_space<hbm>>) target(%arg10 : memref<128x136xf32, #tpu.memory_space<vmem>>) offsets(%dma_start3A_9 : memref<128xi32, #tpu.memory_space<vmem>>) semaphore(%arg15 : memref<!tpu.dma_semaphore, #tpu.memory_space<semaphore_mem>>)
    %dma_start3A_13 = arith.constant 0 : i32
    %dma_start3A_14 = arith.constant 0 : i32
    %dma_start3A_15 = tpu.memref_slice %arg9[%dma_start3A_13, %dma_start3A_14] : memref<20x128xi32, #tpu.memory_space<vmem>> -> memref<1x128xi32, #tpu.memory_space<vmem>>
    %dma_start3A_16 = tpu.memref_squeeze %dma_start3A_15 : memref<1x128xi32, #tpu.memory_space<vmem>> -> memref<128xi32, #tpu.memory_space<vmem>>
    %dma_start3A_17 = arith.constant 0 : i32
    %dma_start3A_18 = arith.constant 0 : i32
    %dma_start3A_19 = tpu.memref_slice %arg3[%dma_start3A_17, %dma_start3A_18] : memref<10000x16xf32, #tpu.memory_space<hbm>> -> memref<10000x16xf32, #tpu.memory_space<hbm>>
    tpu.enqueue_indirect_dma source(%dma_start3A_19 : memref<10000x16xf32, #tpu.memory_space<hbm>>) target(%arg11 : memref<128x16xf32, #tpu.memory_space<vmem>>) offsets(%dma_start3A_16 : memref<128xi32, #tpu.memory_space<vmem>>) semaphore(%arg16 : memref<!tpu.dma_semaphore, #tpu.memory_space<semaphore_mem>>)
    %dma_start3A_20 = arith.constant 1 : i32
    %dma_start3A_21 = arith.constant 0 : i32
    %dma_start3A_22 = tpu.memref_slice %arg8[%dma_start3A_20, %dma_start3A_21] : memref<20x128xi32, #tpu.memory_space<vmem>> -> memref<1x128xi32, #tpu.memory_space<vmem>>
    %dma_start3A_23 = tpu.memref_squeeze %dma_start3A_22 : memref<1x128xi32, #tpu.memory_space<vmem>> -> memref<128xi32, #tpu.memory_space<vmem>>
    %dma_start3A_24 = arith.constant 0 : i32
    %dma_start3A_25 = arith.constant 0 : i32
    %dma_start3A_26 = tpu.memref_slice %arg2[%dma_start3A_24, %dma_start3A_25] : memref<10000x136xf32, #tpu.memory_space<hbm>> -> memref<10000x136xf32, #tpu.memory_space<hbm>>
    tpu.enqueue_indirect_dma source(%dma_start3A_26 : memref<10000x136xf32, #tpu.memory_space<hbm>>) target(%arg12 : memref<128x136xf32, #tpu.memory_space<vmem>>) offsets(%dma_start3A_23 : memref<128xi32, #tpu.memory_space<vmem>>) semaphore(%arg17 : memref<!tpu.dma_semaphore, #tpu.memory_space<semaphore_mem>>)
    %dma_start3A_27 = arith.constant 1 : i32
    %dma_start3A_28 = arith.constant 0 : i32
    %dma_start3A_29 = tpu.memref_slice %arg9[%dma_start3A_27, %dma_start3A_28] : memref<20x128xi32, #tpu.memory_space<vmem>> -> memref<1x128xi32, #tpu.memory_space<vmem>>
    %dma_start3A_30 = tpu.memref_squeeze %dma_start3A_29 : memref<1x128xi32, #tpu.memory_space<vmem>> -> memref<128xi32, #tpu.memory_space<vmem>>
    %dma_start3A_31 = arith.constant 0 : i32
    %dma_start3A_32 = arith.constant 0 : i32
    %dma_start3A_33 = tpu.memref_slice %arg3[%dma_start3A_31, %dma_start3A_32] : memref<10000x16xf32, #tpu.memory_space<hbm>> -> memref<10000x16xf32, #tpu.memory_space<hbm>>
    tpu.enqueue_indirect_dma source(%dma_start3A_33 : memref<10000x16xf32, #tpu.memory_space<hbm>>) target(%arg13 : memref<128x16xf32, #tpu.memory_space<vmem>>) offsets(%dma_start3A_30 : memref<128xi32, #tpu.memory_space<vmem>>) semaphore(%arg18 : memref<!tpu.dma_semaphore, #tpu.memory_space<semaphore_mem>>)
    "tpu.region"() ({
      %run_scoped3A = tpu.sem_alloc : memref<!tpu.dma_semaphore, #tpu.memory_space<semaphore_mem>>
      %dma_start3A_60 = arith.constant 0 : i32
      %dma_start3A_61 = tpu.memref_slice %arg14[%mul3A_2, %dma_start3A_60] : memref<10112x136xf32, #tpu.memory_space<vmem_shared>> -> memref<632x136xf32, #tpu.memory_space<vmem_shared>>
      tpu.enqueue_dma source(%arg6 : memref<632x136xf32, #tpu.memory_space<hbm>>) target(%dma_start3A_61 : memref<632x136xf32, #tpu.memory_space<vmem_shared>>) target_semaphore(%run_scoped3A : memref<!tpu.dma_semaphore, #tpu.memory_space<semaphore_mem>>)
      %dma_wait3A = arith.constant 0 : i32
      %dma_wait3A_62 = tpu.memref_slice %arg14[%mul3A_2, %dma_wait3A] : memref<10112x136xf32, #tpu.memory_space<vmem_shared>> -> memref<632x136xf32, #tpu.memory_space<vmem_shared>>
      tpu.wait_dma2 semaphore(%run_scoped3A : memref<!tpu.dma_semaphore, #tpu.memory_space<semaphore_mem>>) src(%arg6 : memref<632x136xf32, #tpu.memory_space<hbm>>) dst(%dma_wait3A_62 : memref<632x136xf32, #tpu.memory_space<vmem_shared>>)
      tpu.yield
    }) : () -> ()
    %barrier3A = arith.constant 0 : index
    tpu.barrier barrier_id(%barrier3A)
    %iota3A = tpu.iota {dimensions = array<i32: 0>} : vector<16xi32>
    %broadcast_in_dim3A = arith.constant 8 : i32
    %broadcast_in_dim3A_34 = vector.broadcast %broadcast_in_dim3A : i32 to vector<16xi32>
    %broadcast_in_dim3A_35 = arith.constant 9 : i32
    %broadcast_in_dim3A_36 = vector.broadcast %broadcast_in_dim3A_35 : i32 to vector<16xi32>
    %broadcast_in_dim3A_37 = arith.constant 10 : i32
    %broadcast_in_dim3A_38 = vector.broadcast %broadcast_in_dim3A_37 : i32 to vector<16xi32>
    %broadcast_in_dim3A_39 = arith.constant 11 : i32
    %broadcast_in_dim3A_40 = vector.broadcast %broadcast_in_dim3A_39 : i32 to vector<16xi32>
    %broadcast_in_dim3A_41 = arith.constant 12 : i32
    %broadcast_in_dim3A_42 = vector.broadcast %broadcast_in_dim3A_41 : i32 to vector<16xi32>
    %broadcast_in_dim3A_43 = arith.constant 13 : i32
    %broadcast_in_dim3A_44 = vector.broadcast %broadcast_in_dim3A_43 : i32 to vector<16xi32>
    %broadcast_in_dim3A_45 = arith.constant 14 : i32
    %broadcast_in_dim3A_46 = vector.broadcast %broadcast_in_dim3A_45 : i32 to vector<16xi32>
    %broadcast_in_dim3A_47 = arith.constant 15 : i32
    %broadcast_in_dim3A_48 = vector.broadcast %broadcast_in_dim3A_47 : i32 to vector<16xi32>
    %rem3A = arith.constant 8 : i32
    %rem3A_49 = vector.broadcast %rem3A : i32 to vector<16xi32>
    %rem3A_50 = arith.remsi %iota3A, %rem3A_49 : vector<16xi32>
    %add3A_51 = arith.constant 8 : i32
    %add3A_52 = vector.broadcast %add3A_51 : i32 to vector<16xi32>
    %add3A_53 = arith.addi %rem3A_50, %add3A_52 : vector<16xi32>
    %scan3A = arith.constant 0 : i32
    %scan3A_54 = arith.constant 0 : i32
    %scan3A_55 = arith.constant 40 : i32
    %scan3A_56 = arith.addi %scan3A_54, %scan3A_55 : i32
    %scan3A_57 = arith.constant 1 : i32
    scf.for %scan3A_60 = %scan3A_54 to %scan3A_56 step %scan3A_57  : i32 {
      %mul3A_61 = arith.constant 2 : i32
      %mul3A_62 = arith.muli %mul3A_61, %scan3A_60 : i32
      %rem3A_63 = arith.constant 20 : i32
      %rem3A_64 = arith.remsi %mul3A_62, %rem3A_63 : i32
      %dma_wait3A = arith.constant 0 : i32
      %dma_wait3A_65 = tpu.memref_slice %arg8[%rem3A_64, %dma_wait3A] : memref<20x128xi32, #tpu.memory_space<vmem>> -> memref<1x128xi32, #tpu.memory_space<vmem>>
      %dma_wait3A_66 = tpu.memref_squeeze %dma_wait3A_65 : memref<1x128xi32, #tpu.memory_space<vmem>> -> memref<128xi32, #tpu.memory_space<vmem>>
      %dma_wait3A_67 = arith.constant 0 : i32
      %dma_wait3A_68 = arith.constant 0 : i32
      %dma_wait3A_69 = tpu.memref_slice %arg2[%dma_wait3A_67, %dma_wait3A_68] : memref<10000x136xf32, #tpu.memory_space<hbm>> -> memref<10000x136xf32, #tpu.memory_space<hbm>>
      tpu.wait_indirect_dma semaphore(%arg15 : memref<!tpu.dma_semaphore, #tpu.memory_space<semaphore_mem>>) src(%dma_wait3A_69 : memref<10000x136xf32, #tpu.memory_space<hbm>>) dst(%arg10 : memref<128x136xf32, #tpu.memory_space<vmem>>)
      %dma_wait3A_70 = arith.constant 0 : i32
      %dma_wait3A_71 = tpu.memref_slice %arg9[%rem3A_64, %dma_wait3A_70] : memref<20x128xi32, #tpu.memory_space<vmem>> -> memref<1x128xi32, #tpu.memory_space<vmem>>
      %dma_wait3A_72 = tpu.memref_squeeze %dma_wait3A_71 : memref<1x128xi32, #tpu.memory_space<vmem>> -> memref<128xi32, #tpu.memory_space<vmem>>
      %dma_wait3A_73 = arith.constant 0 : i32
      %dma_wait3A_74 = arith.constant 0 : i32
      %dma_wait3A_75 = tpu.memref_slice %arg3[%dma_wait3A_73, %dma_wait3A_74] : memref<10000x16xf32, #tpu.memory_space<hbm>> -> memref<10000x16xf32, #tpu.memory_space<hbm>>
      tpu.wait_indirect_dma semaphore(%arg16 : memref<!tpu.dma_semaphore, #tpu.memory_space<semaphore_mem>>) src(%dma_wait3A_75 : memref<10000x16xf32, #tpu.memory_space<hbm>>) dst(%arg11 : memref<128x16xf32, #tpu.memory_space<vmem>>)
      %parallel_loop3A = arith.constant 0 : i32
      %parallel_loop3A_76 = arith.constant 128 : i32
      %parallel_loop3A_77 = arith.constant 1 : i32
      scf.for %parallel_loop3A_112 = %parallel_loop3A to %parallel_loop3A_76 step %parallel_loop3A_77  : i32 {
        %parallel_loop3A_113 = arith.index_cast %parallel_loop3A_112 : i32 to index
        %parallel_loop3A_114 = arith.constant 120 : index
        %parallel_loop3A_115 = tpu.vector_load %arg10[%parallel_loop3A_113, %parallel_loop3A_114] {strides = array<i32>} : memref<128x136xf32, #tpu.memory_space<vmem>>, vector<1x16xf32>,
        %parallel_loop3A_116 = vector.shape_cast %parallel_loop3A_115 : vector<1x16xf32> to vector<16xf32>
        %parallel_loop3A_117 = arith.index_cast %parallel_loop3A_112 : i32 to index
        %parallel_loop3A_118 = arith.constant 0 : index
        %parallel_loop3A_119 = tpu.vector_load %arg11[%parallel_loop3A_117, %parallel_loop3A_118] {strides = array<i32>} : memref<128x16xf32, #tpu.memory_space<vmem>>, vector<1x16xf32>,
        %parallel_loop3A_120 = vector.shape_cast %parallel_loop3A_119 : vector<1x16xf32> to vector<16xf32>
        %parallel_loop3A_121 = arith.addf %parallel_loop3A_116, %parallel_loop3A_120 : vector<16xf32>
        %parallel_loop3A_122 = arith.constant 2.000000e-01 : f32
        %parallel_loop3A_123 = vector.broadcast %parallel_loop3A_122 : f32 to vector<16xf32>
        %parallel_loop3A_124 = arith.mulf %parallel_loop3A_123, %parallel_loop3A_121 : vector<16xf32>
        %parallel_loop3A_125 = arith.maximumf %parallel_loop3A_121, %parallel_loop3A_124 : vector<16xf32>
        %parallel_loop3A_126 = math.exp %parallel_loop3A_125 : vector<16xf32>
        %parallel_loop3A_127 = arith.constant 0 : i32
        %parallel_loop3A_128 = vector.broadcast %parallel_loop3A_127 : i32 to vector<16xi32>
        %parallel_loop3A_129 = arith.cmpi slt, %broadcast_in_dim3A_34, %parallel_loop3A_128 : vector<16xi32>
        %parallel_loop3A_130 = arith.constant 16 : i32
        %parallel_loop3A_131 = vector.broadcast %parallel_loop3A_130 : i32 to vector<16xi32>
        %parallel_loop3A_132 = arith.addi %broadcast_in_dim3A_34, %parallel_loop3A_131 : vector<16xi32>
        %parallel_loop3A_133 = arith.select %parallel_loop3A_129, %parallel_loop3A_132, %broadcast_in_dim3A_34 : vector<16xi1>, vector<16xi32>
        %parallel_loop3A_134 = vector.shape_cast %parallel_loop3A_133 : vector<16xi32> to vector<16x1xi32>
        %parallel_loop3A_135 = vector.shape_cast %parallel_loop3A_134 : vector<16x1xi32> to vector<16xi32>
        %parallel_loop3A_136 = tpu.dynamic_gather %parallel_loop3A_126[%parallel_loop3A_135] in [0] : vector<16xf32>, vector<16xi32> -> vector<16xf32>
        %parallel_loop3A_137 = arith.index_cast %parallel_loop3A_112 : i32 to index
        %parallel_loop3A_138 = arith.constant 0 : index
        %parallel_loop3A_139 = tpu.vector_load %arg10[%parallel_loop3A_137, %parallel_loop3A_138] {strides = array<i32>} : memref<128x136xf32, #tpu.memory_space<vmem>>, vector<1x16xf32>,
        %parallel_loop3A_140 = vector.shape_cast %parallel_loop3A_139 : vector<1x16xf32> to vector<16xf32>
        %parallel_loop3A_141 = arith.mulf %parallel_loop3A_140, %parallel_loop3A_136 : vector<16xf32>
        %parallel_loop3A_142 = arith.index_cast %parallel_loop3A_112 : i32 to index
        %parallel_loop3A_143 = arith.constant 0 : index
        %parallel_loop3A_144 = tpu.vector_load %arg10[%parallel_loop3A_142, %parallel_loop3A_143] {strides = array<i32>} : memref<128x136xf32, #tpu.memory_space<vmem>>, vector<1x16xf32>,
        %parallel_loop3A_145 = vector.shape_cast %parallel_loop3A_144 : vector<1x16xf32> to vector<16xf32>
        %parallel_loop3A_146 = vector.shape_cast %parallel_loop3A_141 : vector<16xf32> to vector<1x16xf32>
        tpu.vector_store %arg10[%parallel_loop3A_142, %parallel_loop3A_143], %parallel_loop3A_146 {strides = array<i32>} : memref<128x136xf32, #tpu.memory_space<vmem>>, vector<1x16xf32>,
        %parallel_loop3A_147 = arith.constant 0 : i32
        %parallel_loop3A_148 = vector.broadcast %parallel_loop3A_147 : i32 to vector<16xi32>
        %parallel_loop3A_149 = arith.cmpi slt, %broadcast_in_dim3A_36, %parallel_loop3A_148 : vector<16xi32>
        %parallel_loop3A_150 = arith.constant 16 : i32
        %parallel_loop3A_151 = vector.broadcast %parallel_loop3A_150 : i32 to vector<16xi32>
        %parallel_loop3A_152 = arith.addi %broadcast_in_dim3A_36, %parallel_loop3A_151 : vector<16xi32>
        %parallel_loop3A_153 = arith.select %parallel_loop3A_149, %parallel_loop3A_152, %broadcast_in_dim3A_36 : vector<16xi1>, vector<16xi32>
        %parallel_loop3A_154 = vector.shape_cast %parallel_loop3A_153 : vector<16xi32> to vector<16x1xi32>
        %parallel_loop3A_155 = vector.shape_cast %parallel_loop3A_154 : vector<16x1xi32> to vector<16xi32>
        %parallel_loop3A_156 = tpu.dynamic_gather %parallel_loop3A_126[%parallel_loop3A_155] in [0] : vector<16xf32>, vector<16xi32> -> vector<16xf32>
        %parallel_loop3A_157 = arith.index_cast %parallel_loop3A_112 : i32 to index
        %parallel_loop3A_158 = arith.constant 16 : index
        %parallel_loop3A_159 = tpu.vector_load %arg10[%parallel_loop3A_157, %parallel_loop3A_158] {strides = array<i32>} : memref<128x136xf32, #tpu.memory_space<vmem>>, vector<1x16xf32>,
        %parallel_loop3A_160 = vector.shape_cast %parallel_loop3A_159 : vector<1x16xf32> to vector<16xf32>
        %parallel_loop3A_161 = arith.mulf %parallel_loop3A_160, %parallel_loop3A_156 : vector<16xf32>
        %parallel_loop3A_162 = arith.index_cast %parallel_loop3A_112 : i32 to index
        %parallel_loop3A_163 = arith.constant 16 : index
        %parallel_loop3A_164 = tpu.vector_load %arg10[%parallel_loop3A_162, %parallel_loop3A_163] {strides = array<i32>} : memref<128x136xf32, #tpu.memory_space<vmem>>, vector<1x16xf32>,
        %parallel_loop3A_165 = vector.shape_cast %parallel_loop3A_164 : vector<1x16xf32> to vector<16xf32>
        %parallel_loop3A_166 = vector.shape_cast %parallel_loop3A_161 : vector<16xf32> to vector<1x16xf32>
        tpu.vector_store %arg10[%parallel_loop3A_162, %parallel_loop3A_163], %parallel_loop3A_166 {strides = array<i32>} : memref<128x136xf32, #tpu.memory_space<vmem>>, vector<1x16xf32>,
        %parallel_loop3A_167 = arith.constant 0 : i32
        %parallel_loop3A_168 = vector.broadcast %parallel_loop3A_167 : i32 to vector<16xi32>
        %parallel_loop3A_169 = arith.cmpi slt, %broadcast_in_dim3A_38, %parallel_loop3A_168 : vector<16xi32>
        %parallel_loop3A_170 = arith.constant 16 : i32
        %parallel_loop3A_171 = vector.broadcast %parallel_loop3A_170 : i32 to vector<16xi32>
        %parallel_loop3A_172 = arith.addi %broadcast_in_dim3A_38, %parallel_loop3A_171 : vector<16xi32>
        %parallel_loop3A_173 = arith.select %parallel_loop3A_169, %parallel_loop3A_172, %broadcast_in_dim3A_38 : vector<16xi1>, vector<16xi32>
        %parallel_loop3A_174 = vector.shape_cast %parallel_loop3A_173 : vector<16xi32> to vector<16x1xi32>
        %parallel_loop3A_175 = vector.shape_cast %parallel_loop3A_174 : vector<16x1xi32> to vector<16xi32>
        %parallel_loop3A_176 = tpu.dynamic_gather %parallel_loop3A_126[%parallel_loop3A_175] in [0] : vector<16xf32>, vector<16xi32> -> vector<16xf32>
        %parallel_loop3A_177 = arith.index_cast %parallel_loop3A_112 : i32 to index
        %parallel_loop3A_178 = arith.constant 32 : index
        %parallel_loop3A_179 = tpu.vector_load %arg10[%parallel_loop3A_177, %parallel_loop3A_178] {strides = array<i32>} : memref<128x136xf32, #tpu.memory_space<vmem>>, vector<1x16xf32>,
        %parallel_loop3A_180 = vector.shape_cast %parallel_loop3A_179 : vector<1x16xf32> to vector<16xf32>
        %parallel_loop3A_181 = arith.mulf %parallel_loop3A_180, %parallel_loop3A_176 : vector<16xf32>
        %parallel_loop3A_182 = arith.index_cast %parallel_loop3A_112 : i32 to index
        %parallel_loop3A_183 = arith.constant 32 : index
        %parallel_loop3A_184 = tpu.vector_load %arg10[%parallel_loop3A_182, %parallel_loop3A_183] {strides = array<i32>} : memref<128x136xf32, #tpu.memory_space<vmem>>, vector<1x16xf32>,
        %parallel_loop3A_185 = vector.shape_cast %parallel_loop3A_184 : vector<1x16xf32> to vector<16xf32>
        %parallel_loop3A_186 = vector.shape_cast %parallel_loop3A_181 : vector<16xf32> to vector<1x16xf32>
        tpu.vector_store %arg10[%parallel_loop3A_182, %parallel_loop3A_183], %parallel_loop3A_186 {strides = array<i32>} : memref<128x136xf32, #tpu.memory_space<vmem>>, vector<1x16xf32>,
        %parallel_loop3A_187 = arith.constant 0 : i32
        %parallel_loop3A_188 = vector.broadcast %parallel_loop3A_187 : i32 to vector<16xi32>
        %parallel_loop3A_189 = arith.cmpi slt, %broadcast_in_dim3A_40, %parallel_loop3A_188 : vector<16xi32>
        %parallel_loop3A_190 = arith.constant 16 : i32
        %parallel_loop3A_191 = vector.broadcast %parallel_loop3A_190 : i32 to vector<16xi32>
        %parallel_loop3A_192 = arith.addi %broadcast_in_dim3A_40, %parallel_loop3A_191 : vector<16xi32>
        %parallel_loop3A_193 = arith.select %parallel_loop3A_189, %parallel_loop3A_192, %broadcast_in_dim3A_40 : vector<16xi1>, vector<16xi32>
        %parallel_loop3A_194 = vector.shape_cast %parallel_loop3A_193 : vector<16xi32> to vector<16x1xi32>
        %parallel_loop3A_195 = vector.shape_cast %parallel_loop3A_194 : vector<16x1xi32> to vector<16xi32>
        %parallel_loop3A_196 = tpu.dynamic_gather %parallel_loop3A_126[%parallel_loop3A_195] in [0] : vector<16xf32>, vector<16xi32> -> vector<16xf32>
        %parallel_loop3A_197 = arith.index_cast %parallel_loop3A_112 : i32 to index
        %parallel_loop3A_198 = arith.constant 48 : index
        %parallel_loop3A_199 = tpu.vector_load %arg10[%parallel_loop3A_197, %parallel_loop3A_198] {strides = array<i32>} : memref<128x136xf32, #tpu.memory_space<vmem>>, vector<1x16xf32>,
        %parallel_loop3A_200 = vector.shape_cast %parallel_loop3A_199 : vector<1x16xf32> to vector<16xf32>
        %parallel_loop3A_201 = arith.mulf %parallel_loop3A_200, %parallel_loop3A_196 : vector<16xf32>
        %parallel_loop3A_202 = arith.index_cast %parallel_loop3A_112 : i32 to index
        %parallel_loop3A_203 = arith.constant 48 : index
        %parallel_loop3A_204 = tpu.vector_load %arg10[%parallel_loop3A_202, %parallel_loop3A_203] {strides = array<i32>} : memref<128x136xf32, #tpu.memory_space<vmem>>, vector<1x16xf32>,
        %parallel_loop3A_205 = vector.shape_cast %parallel_loop3A_204 : vector<1x16xf32> to vector<16xf32>
        %parallel_loop3A_206 = vector.shape_cast %parallel_loop3A_201 : vector<16xf32> to vector<1x16xf32>
        tpu.vector_store %arg10[%parallel_loop3A_202, %parallel_loop3A_203], %parallel_loop3A_206 {strides = array<i32>} : memref<128x136xf32, #tpu.memory_space<vmem>>, vector<1x16xf32>,
        %parallel_loop3A_207 = arith.constant 0 : i32
        %parallel_loop3A_208 = vector.broadcast %parallel_loop3A_207 : i32 to vector<16xi32>
        %parallel_loop3A_209 = arith.cmpi slt, %broadcast_in_dim3A_42, %parallel_loop3A_208 : vector<16xi32>
        %parallel_loop3A_210 = arith.constant 16 : i32
        %parallel_loop3A_211 = vector.broadcast %parallel_loop3A_210 : i32 to vector<16xi32>
        %parallel_loop3A_212 = arith.addi %broadcast_in_dim3A_42, %parallel_loop3A_211 : vector<16xi32>
        %parallel_loop3A_213 = arith.select %parallel_loop3A_209, %parallel_loop3A_212, %broadcast_in_dim3A_42 : vector<16xi1>, vector<16xi32>
        %parallel_loop3A_214 = vector.shape_cast %parallel_loop3A_213 : vector<16xi32> to vector<16x1xi32>
        %parallel_loop3A_215 = vector.shape_cast %parallel_loop3A_214 : vector<16x1xi32> to vector<16xi32>
        %parallel_loop3A_216 = tpu.dynamic_gather %parallel_loop3A_126[%parallel_loop3A_215] in [0] : vector<16xf32>, vector<16xi32> -> vector<16xf32>
        %parallel_loop3A_217 = arith.index_cast %parallel_loop3A_112 : i32 to index
        %parallel_loop3A_218 = arith.constant 64 : index
        %parallel_loop3A_219 = tpu.vector_load %arg10[%parallel_loop3A_217, %parallel_loop3A_218] {strides = array<i32>} : memref<128x136xf32, #tpu.memory_space<vmem>>, vector<1x16xf32>,
        %parallel_loop3A_220 = vector.shape_cast %parallel_loop3A_219 : vector<1x16xf32> to vector<16xf32>
        %parallel_loop3A_221 = arith.mulf %parallel_loop3A_220, %parallel_loop3A_216 : vector<16xf32>
        %parallel_loop3A_222 = arith.index_cast %parallel_loop3A_112 : i32 to index
        %parallel_loop3A_223 = arith.constant 64 : index
        %parallel_loop3A_224 = tpu.vector_load %arg10[%parallel_loop3A_222, %parallel_loop3A_223] {strides = array<i32>} : memref<128x136xf32, #tpu.memory_space<vmem>>, vector<1x16xf32>,
        %parallel_loop3A_225 = vector.shape_cast %parallel_loop3A_224 : vector<1x16xf32> to vector<16xf32>
        %parallel_loop3A_226 = vector.shape_cast %parallel_loop3A_221 : vector<16xf32> to vector<1x16xf32>
        tpu.vector_store %arg10[%parallel_loop3A_222, %parallel_loop3A_223], %parallel_loop3A_226 {strides = array<i32>} : memref<128x136xf32, #tpu.memory_space<vmem>>, vector<1x16xf32>,
        %parallel_loop3A_227 = arith.constant 0 : i32
        %parallel_loop3A_228 = vector.broadcast %parallel_loop3A_227 : i32 to vector<16xi32>
        %parallel_loop3A_229 = arith.cmpi slt, %broadcast_in_dim3A_44, %parallel_loop3A_228 : vector<16xi32>
        %parallel_loop3A_230 = arith.constant 16 : i32
        %parallel_loop3A_231 = vector.broadcast %parallel_loop3A_230 : i32 to vector<16xi32>
        %parallel_loop3A_232 = arith.addi %broadcast_in_dim3A_44, %parallel_loop3A_231 : vector<16xi32>
        %parallel_loop3A_233 = arith.select %parallel_loop3A_229, %parallel_loop3A_232, %broadcast_in_dim3A_44 : vector<16xi1>, vector<16xi32>
        %parallel_loop3A_234 = vector.shape_cast %parallel_loop3A_233 : vector<16xi32> to vector<16x1xi32>
        %parallel_loop3A_235 = vector.shape_cast %parallel_loop3A_234 : vector<16x1xi32> to vector<16xi32>
        %parallel_loop3A_236 = tpu.dynamic_gather %parallel_loop3A_126[%parallel_loop3A_235] in [0] : vector<16xf32>, vector<16xi32> -> vector<16xf32>
        %parallel_loop3A_237 = arith.index_cast %parallel_loop3A_112 : i32 to index
        %parallel_loop3A_238 = arith.constant 80 : index
        %parallel_loop3A_239 = tpu.vector_load %arg10[%parallel_loop3A_237, %parallel_loop3A_238] {strides = array<i32>} : memref<128x136xf32, #tpu.memory_space<vmem>>, vector<1x16xf32>,
        %parallel_loop3A_240 = vector.shape_cast %parallel_loop3A_239 : vector<1x16xf32> to vector<16xf32>
        %parallel_loop3A_241 = arith.mulf %parallel_loop3A_240, %parallel_loop3A_236 : vector<16xf32>
        %parallel_loop3A_242 = arith.index_cast %parallel_loop3A_112 : i32 to index
        %parallel_loop3A_243 = arith.constant 80 : index
        %parallel_loop3A_244 = tpu.vector_load %arg10[%parallel_loop3A_242, %parallel_loop3A_243] {strides = array<i32>} : memref<128x136xf32, #tpu.memory_space<vmem>>, vector<1x16xf32>,
        %parallel_loop3A_245 = vector.shape_cast %parallel_loop3A_244 : vector<1x16xf32> to vector<16xf32>
        %parallel_loop3A_246 = vector.shape_cast %parallel_loop3A_241 : vector<16xf32> to vector<1x16xf32>
        tpu.vector_store %arg10[%parallel_loop3A_242, %parallel_loop3A_243], %parallel_loop3A_246 {strides = array<i32>} : memref<128x136xf32, #tpu.memory_space<vmem>>, vector<1x16xf32>,
        %parallel_loop3A_247 = arith.constant 0 : i32
        %parallel_loop3A_248 = vector.broadcast %parallel_loop3A_247 : i32 to vector<16xi32>
        %parallel_loop3A_249 = arith.cmpi slt, %broadcast_in_dim3A_46, %parallel_loop3A_248 : vector<16xi32>
        %parallel_loop3A_250 = arith.constant 16 : i32
        %parallel_loop3A_251 = vector.broadcast %parallel_loop3A_250 : i32 to vector<16xi32>
        %parallel_loop3A_252 = arith.addi %broadcast_in_dim3A_46, %parallel_loop3A_251 : vector<16xi32>
        %parallel_loop3A_253 = arith.select %parallel_loop3A_249, %parallel_loop3A_252, %broadcast_in_dim3A_46 : vector<16xi1>, vector<16xi32>
        %parallel_loop3A_254 = vector.shape_cast %parallel_loop3A_253 : vector<16xi32> to vector<16x1xi32>
        %parallel_loop3A_255 = vector.shape_cast %parallel_loop3A_254 : vector<16x1xi32> to vector<16xi32>
        %parallel_loop3A_256 = tpu.dynamic_gather %parallel_loop3A_126[%parallel_loop3A_255] in [0] : vector<16xf32>, vector<16xi32> -> vector<16xf32>
        %parallel_loop3A_257 = arith.index_cast %parallel_loop3A_112 : i32 to index
        %parallel_loop3A_258 = arith.constant 96 : index
        %parallel_loop3A_259 = tpu.vector_load %arg10[%parallel_loop3A_257, %parallel_loop3A_258] {strides = array<i32>} : memref<128x136xf32, #tpu.memory_space<vmem>>, vector<1x16xf32>,
        %parallel_loop3A_260 = vector.shape_cast %parallel_loop3A_259 : vector<1x16xf32> to vector<16xf32>
        %parallel_loop3A_261 = arith.mulf %parallel_loop3A_260, %parallel_loop3A_256 : vector<16xf32>
        %parallel_loop3A_262 = arith.index_cast %parallel_loop3A_112 : i32 to index
        %parallel_loop3A_263 = arith.constant 96 : index
        %parallel_loop3A_264 = tpu.vector_load %arg10[%parallel_loop3A_262, %parallel_loop3A_263] {strides = array<i32>} : memref<128x136xf32, #tpu.memory_space<vmem>>, vector<1x16xf32>,
        %parallel_loop3A_265 = vector.shape_cast %parallel_loop3A_264 : vector<1x16xf32> to vector<16xf32>
        %parallel_loop3A_266 = vector.shape_cast %parallel_loop3A_261 : vector<16xf32> to vector<1x16xf32>
        tpu.vector_store %arg10[%parallel_loop3A_262, %parallel_loop3A_263], %parallel_loop3A_266 {strides = array<i32>} : memref<128x136xf32, #tpu.memory_space<vmem>>, vector<1x16xf32>,
        %parallel_loop3A_267 = arith.constant 0 : i32
        %parallel_loop3A_268 = vector.broadcast %parallel_loop3A_267 : i32 to vector<16xi32>
        %parallel_loop3A_269 = arith.cmpi slt, %broadcast_in_dim3A_48, %parallel_loop3A_268 : vector<16xi32>
        %parallel_loop3A_270 = arith.constant 16 : i32
        %parallel_loop3A_271 = vector.broadcast %parallel_loop3A_270 : i32 to vector<16xi32>
        %parallel_loop3A_272 = arith.addi %broadcast_in_dim3A_48, %parallel_loop3A_271 : vector<16xi32>
        %parallel_loop3A_273 = arith.select %parallel_loop3A_269, %parallel_loop3A_272, %broadcast_in_dim3A_48 : vector<16xi1>, vector<16xi32>
        %parallel_loop3A_274 = vector.shape_cast %parallel_loop3A_273 : vector<16xi32> to vector<16x1xi32>
        %parallel_loop3A_275 = vector.shape_cast %parallel_loop3A_274 : vector<16x1xi32> to vector<16xi32>
        %parallel_loop3A_276 = tpu.dynamic_gather %parallel_loop3A_126[%parallel_loop3A_275] in [0] : vector<16xf32>, vector<16xi32> -> vector<16xf32>
        %parallel_loop3A_277 = arith.index_cast %parallel_loop3A_112 : i32 to index
        %parallel_loop3A_278 = arith.constant 112 : index
        %parallel_loop3A_279 = tpu.vector_load %arg10[%parallel_loop3A_277, %parallel_loop3A_278] {strides = array<i32>} : memref<128x136xf32, #tpu.memory_space<vmem>>, vector<1x16xf32>,
        %parallel_loop3A_280 = vector.shape_cast %parallel_loop3A_279 : vector<1x16xf32> to vector<16xf32>
        %parallel_loop3A_281 = arith.mulf %parallel_loop3A_280, %parallel_loop3A_276 : vector<16xf32>
        %parallel_loop3A_282 = arith.index_cast %parallel_loop3A_112 : i32 to index
        %parallel_loop3A_283 = arith.constant 112 : index
        %parallel_loop3A_284 = tpu.vector_load %arg10[%parallel_loop3A_282, %parallel_loop3A_283] {strides = array<i32>} : memref<128x136xf32, #tpu.memory_space<vmem>>, vector<1x16xf32>,
        %parallel_loop3A_285 = vector.shape_cast %parallel_loop3A_284 : vector<1x16xf32> to vector<16xf32>
        %parallel_loop3A_286 = vector.shape_cast %parallel_loop3A_281 : vector<16xf32> to vector<1x16xf32>
        tpu.vector_store %arg10[%parallel_loop3A_282, %parallel_loop3A_283], %parallel_loop3A_286 {strides = array<i32>} : memref<128x136xf32, #tpu.memory_space<vmem>>, vector<1x16xf32>,
        %parallel_loop3A_287 = arith.constant 0 : i32
        %parallel_loop3A_288 = vector.broadcast %parallel_loop3A_287 : i32 to vector<16xi32>
        %parallel_loop3A_289 = arith.cmpi slt, %add3A_53, %parallel_loop3A_288 : vector<16xi32>
        %parallel_loop3A_290 = arith.constant 16 : i32
        %parallel_loop3A_291 = vector.broadcast %parallel_loop3A_290 : i32 to vector<16xi32>
        %parallel_loop3A_292 = arith.addi %add3A_53, %parallel_loop3A_291 : vector<16xi32>
        %parallel_loop3A_293 = arith.select %parallel_loop3A_289, %parallel_loop3A_292, %add3A_53 : vector<16xi1>, vector<16xi32>
        %parallel_loop3A_294 = vector.shape_cast %parallel_loop3A_293 : vector<16xi32> to vector<16x1xi32>
        %parallel_loop3A_295 = vector.shape_cast %parallel_loop3A_294 : vector<16x1xi32> to vector<16xi32>
        %parallel_loop3A_296 = tpu.dynamic_gather %parallel_loop3A_281[%parallel_loop3A_295] in [0] : vector<16xf32>, vector<16xi32> -> vector<16xf32>
        %parallel_loop3A_297 = arith.constant 8 : i32
        %parallel_loop3A_298 = vector.broadcast %parallel_loop3A_297 : i32 to vector<16xi32>
        %parallel_loop3A_299 = arith.cmpi slt, %iota3A, %parallel_loop3A_298 : vector<16xi32>
        %parallel_loop3A_300 = arith.select %parallel_loop3A_299, %parallel_loop3A_296, %parallel_loop3A_126 : vector<16xi1>, vector<16xf32>
        %parallel_loop3A_301 = arith.index_cast %parallel_loop3A_112 : i32 to index
        %parallel_loop3A_302 = arith.constant 120 : index
        %parallel_loop3A_303 = tpu.vector_load %arg10[%parallel_loop3A_301, %parallel_loop3A_302] {strides = array<i32>} : memref<128x136xf32, #tpu.memory_space<vmem>>, vector<1x16xf32>,
        %parallel_loop3A_304 = vector.shape_cast %parallel_loop3A_303 : vector<1x16xf32> to vector<16xf32>
        %parallel_loop3A_305 = vector.shape_cast %parallel_loop3A_300 : vector<16xf32> to vector<1x16xf32>
        tpu.vector_store %arg10[%parallel_loop3A_301, %parallel_loop3A_302], %parallel_loop3A_305 {strides = array<i32>} : memref<128x136xf32, #tpu.memory_space<vmem>>, vector<1x16xf32>,
      } {sc.loop_unroll_factor = 4 : i64, sc.parallel_access}
      "tpu.region"() ({
        %run_scoped3A = tpu.sem_alloc : memref<!tpu.dma_semaphore, #tpu.memory_space<semaphore_mem>>
        %dma_start3A_112 = arith.constant 0 : i32
        %dma_start3A_113 = tpu.memref_slice %arg9[%rem3A_64, %dma_start3A_112] : memref<20x128xi32, #tpu.memory_space<vmem>> -> memref<1x128xi32, #tpu.memory_space<vmem>>
        %dma_start3A_114 = tpu.memref_squeeze %dma_start3A_113 : memref<1x128xi32, #tpu.memory_space<vmem>> -> memref<128xi32, #tpu.memory_space<vmem>>
        %dma_start3A_115 = arith.constant 0 : i32
        %dma_start3A_116 = arith.constant 0 : i32
        %dma_start3A_117 = tpu.memref_slice %arg14[%dma_start3A_115, %dma_start3A_116] : memref<10112x136xf32, #tpu.memory_space<vmem_shared>> -> memref<10112x136xf32, #tpu.memory_space<vmem_shared>>
        tpu.enqueue_indirect_dma source(%arg10 : memref<128x136xf32, #tpu.memory_space<vmem>>) target(%dma_start3A_117 : memref<10112x136xf32, #tpu.memory_space<vmem_shared>>) offsets(%dma_start3A_114 : memref<128xi32, #tpu.memory_space<vmem>>) semaphore(%run_scoped3A : memref<!tpu.dma_semaphore, #tpu.memory_space<semaphore_mem>>) {add = true}
        %dma_wait3A_118 = arith.constant 0 : i32
        %dma_wait3A_119 = tpu.memref_slice %arg9[%rem3A_64, %dma_wait3A_118] : memref<20x128xi32, #tpu.memory_space<vmem>> -> memref<1x128xi32, #tpu.memory_space<vmem>>
        %dma_wait3A_120 = tpu.memref_squeeze %dma_wait3A_119 : memref<1x128xi32, #tpu.memory_space<vmem>> -> memref<128xi32, #tpu.memory_space<vmem>>
        %dma_wait3A_121 = arith.constant 0 : i32
        %dma_wait3A_122 = arith.constant 0 : i32
        %dma_wait3A_123 = tpu.memref_slice %arg14[%dma_wait3A_121, %dma_wait3A_122] : memref<10112x136xf32, #tpu.memory_space<vmem_shared>> -> memref<10112x136xf32, #tpu.memory_space<vmem_shared>>
        tpu.wait_indirect_dma semaphore(%run_scoped3A : memref<!tpu.dma_semaphore, #tpu.memory_space<semaphore_mem>>) src(%arg10 : memref<128x136xf32, #tpu.memory_space<vmem>>) dst(%dma_wait3A_123 : memref<10112x136xf32, #tpu.memory_space<vmem_shared>>)
        tpu.yield
      }) : () -> ()
      %lt3A = arith.constant 18 : i32
      %lt3A_78 = arith.cmpi slt, %rem3A_64, %lt3A : i32
      %convert_element_type3A = arith.extui %lt3A_78 : i1 to i32
      %cond3A = arith.constant 0 : i32
      %cond3A_79 = arith.cmpi ne, %convert_element_type3A, %cond3A : i32
      scf.if %cond3A_79 {
        %add3A_112 = arith.constant 2 : i32
        %add3A_113 = arith.addi %rem3A_64, %add3A_112 : i32
        %dma_start3A_114 = arith.constant 0 : i32
        %dma_start3A_115 = tpu.memref_slice %arg8[%add3A_113, %dma_start3A_114] : memref<20x128xi32, #tpu.memory_space<vmem>> -> memref<1x128xi32, #tpu.memory_space<vmem>>
        %dma_start3A_116 = tpu.memref_squeeze %dma_start3A_115 : memref<1x128xi32, #tpu.memory_space<vmem>> -> memref<128xi32, #tpu.memory_space<vmem>>
        %dma_start3A_117 = arith.constant 0 : i32
        %dma_start3A_118 = arith.constant 0 : i32
        %dma_start3A_119 = tpu.memref_slice %arg2[%dma_start3A_117, %dma_start3A_118] : memref<10000x136xf32, #tpu.memory_space<hbm>> -> memref<10000x136xf32, #tpu.memory_space<hbm>>
        tpu.enqueue_indirect_dma source(%dma_start3A_119 : memref<10000x136xf32, #tpu.memory_space<hbm>>) target(%arg10 : memref<128x136xf32, #tpu.memory_space<vmem>>) offsets(%dma_start3A_116 : memref<128xi32, #tpu.memory_space<vmem>>) semaphore(%arg15 : memref<!tpu.dma_semaphore, #tpu.memory_space<semaphore_mem>>)
        %dma_start3A_120 = arith.constant 0 : i32
        %dma_start3A_121 = tpu.memref_slice %arg9[%add3A_113, %dma_start3A_120] : memref<20x128xi32, #tpu.memory_space<vmem>> -> memref<1x128xi32, #tpu.memory_space<vmem>>
        %dma_start3A_122 = tpu.memref_squeeze %dma_start3A_121 : memref<1x128xi32, #tpu.memory_space<vmem>> -> memref<128xi32, #tpu.memory_space<vmem>>
        %dma_start3A_123 = arith.constant 0 : i32
        %dma_start3A_124 = arith.constant 0 : i32
        %dma_start3A_125 = tpu.memref_slice %arg3[%dma_start3A_123, %dma_start3A_124] : memref<10000x16xf32, #tpu.memory_space<hbm>> -> memref<10000x16xf32, #tpu.memory_space<hbm>>
        tpu.enqueue_indirect_dma source(%dma_start3A_125 : memref<10000x16xf32, #tpu.memory_space<hbm>>) target(%arg11 : memref<128x16xf32, #tpu.memory_space<vmem>>) offsets(%dma_start3A_122 : memref<128xi32, #tpu.memory_space<vmem>>) semaphore(%arg16 : memref<!tpu.dma_semaphore, #tpu.memory_space<semaphore_mem>>)
      } else {
      }
      %add3A_80 = arith.constant 1 : i32
      %add3A_81 = arith.addi %rem3A_64, %add3A_80 : i32
      %dma_wait3A_82 = arith.constant 0 : i32
      %dma_wait3A_83 = tpu.memref_slice %arg8[%add3A_81, %dma_wait3A_82] : memref<20x128xi32, #tpu.memory_space<vmem>> -> memref<1x128xi32, #tpu.memory_space<vmem>>
      %dma_wait3A_84 = tpu.memref_squeeze %dma_wait3A_83 : memref<1x128xi32, #tpu.memory_space<vmem>> -> memref<128xi32, #tpu.memory_space<vmem>>
      %dma_wait3A_85 = arith.constant 0 : i32
      %dma_wait3A_86 = arith.constant 0 : i32
      %dma_wait3A_87 = tpu.memref_slice %arg2[%dma_wait3A_85, %dma_wait3A_86] : memref<10000x136xf32, #tpu.memory_space<hbm>> -> memref<10000x136xf32, #tpu.memory_space<hbm>>
      tpu.wait_indirect_dma semaphore(%arg17 : memref<!tpu.dma_semaphore, #tpu.memory_space<semaphore_mem>>) src(%dma_wait3A_87 : memref<10000x136xf32, #tpu.memory_space<hbm>>) dst(%arg12 : memref<128x136xf32, #tpu.memory_space<vmem>>)
      %dma_wait3A_88 = arith.constant 0 : i32
      %dma_wait3A_89 = tpu.memref_slice %arg9[%add3A_81, %dma_wait3A_88] : memref<20x128xi32, #tpu.memory_space<vmem>> -> memref<1x128xi32, #tpu.memory_space<vmem>>
      %dma_wait3A_90 = tpu.memref_squeeze %dma_wait3A_89 : memref<1x128xi32, #tpu.memory_space<vmem>> -> memref<128xi32, #tpu.memory_space<vmem>>
      %dma_wait3A_91 = arith.constant 0 : i32
      %dma_wait3A_92 = arith.constant 0 : i32
      %dma_wait3A_93 = tpu.memref_slice %arg3[%dma_wait3A_91, %dma_wait3A_92] : memref<10000x16xf32, #tpu.memory_space<hbm>> -> memref<10000x16xf32, #tpu.memory_space<hbm>>
      tpu.wait_indirect_dma semaphore(%arg18 : memref<!tpu.dma_semaphore, #tpu.memory_space<semaphore_mem>>) src(%dma_wait3A_93 : memref<10000x16xf32, #tpu.memory_space<hbm>>) dst(%arg13 : memref<128x16xf32, #tpu.memory_space<vmem>>)
      %parallel_loop3A_94 = arith.constant 0 : i32
      %parallel_loop3A_95 = arith.constant 128 : i32
      %parallel_loop3A_96 = arith.constant 1 : i32
      scf.for %parallel_loop3A_112 = %parallel_loop3A_94 to %parallel_loop3A_95 step %parallel_loop3A_96  : i32 {
        %parallel_loop3A_113 = arith.index_cast %parallel_loop3A_112 : i32 to index
        %parallel_loop3A_114 = arith.constant 120 : index
        %parallel_loop3A_115 = tpu.vector_load %arg12[%parallel_loop3A_113, %parallel_loop3A_114] {strides = array<i32>} : memref<128x136xf32, #tpu.memory_space<vmem>>, vector<1x16xf32>,
        %parallel_loop3A_116 = vector.shape_cast %parallel_loop3A_115 : vector<1x16xf32> to vector<16xf32>
        %parallel_loop3A_117 = arith.index_cast %parallel_loop3A_112 : i32 to index
        %parallel_loop3A_118 = arith.constant 0 : index
        %parallel_loop3A_119 = tpu.vector_load %arg13[%parallel_loop3A_117, %parallel_loop3A_118] {strides = array<i32>} : memref<128x16xf32, #tpu.memory_space<vmem>>, vector<1x16xf32>,
        %parallel_loop3A_120 = vector.shape_cast %parallel_loop3A_119 : vector<1x16xf32> to vector<16xf32>
        %parallel_loop3A_121 = arith.addf %parallel_loop3A_116, %parallel_loop3A_120 : vector<16xf32>
        %parallel_loop3A_122 = arith.constant 2.000000e-01 : f32
        %parallel_loop3A_123 = vector.broadcast %parallel_loop3A_122 : f32 to vector<16xf32>
        %parallel_loop3A_124 = arith.mulf %parallel_loop3A_123, %parallel_loop3A_121 : vector<16xf32>
        %parallel_loop3A_125 = arith.maximumf %parallel_loop3A_121, %parallel_loop3A_124 : vector<16xf32>
        %parallel_loop3A_126 = math.exp %parallel_loop3A_125 : vector<16xf32>
        %parallel_loop3A_127 = arith.constant 0 : i32
        %parallel_loop3A_128 = vector.broadcast %parallel_loop3A_127 : i32 to vector<16xi32>
        %parallel_loop3A_129 = arith.cmpi slt, %broadcast_in_dim3A_34, %parallel_loop3A_128 : vector<16xi32>
        %parallel_loop3A_130 = arith.constant 16 : i32
        %parallel_loop3A_131 = vector.broadcast %parallel_loop3A_130 : i32 to vector<16xi32>
        %parallel_loop3A_132 = arith.addi %broadcast_in_dim3A_34, %parallel_loop3A_131 : vector<16xi32>
        %parallel_loop3A_133 = arith.select %parallel_loop3A_129, %parallel_loop3A_132, %broadcast_in_dim3A_34 : vector<16xi1>, vector<16xi32>
        %parallel_loop3A_134 = vector.shape_cast %parallel_loop3A_133 : vector<16xi32> to vector<16x1xi32>
        %parallel_loop3A_135 = vector.shape_cast %parallel_loop3A_134 : vector<16x1xi32> to vector<16xi32>
        %parallel_loop3A_136 = tpu.dynamic_gather %parallel_loop3A_126[%parallel_loop3A_135] in [0] : vector<16xf32>, vector<16xi32> -> vector<16xf32>
        %parallel_loop3A_137 = arith.index_cast %parallel_loop3A_112 : i32 to index
        %parallel_loop3A_138 = arith.constant 0 : index
        %parallel_loop3A_139 = tpu.vector_load %arg12[%parallel_loop3A_137, %parallel_loop3A_138] {strides = array<i32>} : memref<128x136xf32, #tpu.memory_space<vmem>>, vector<1x16xf32>,
        %parallel_loop3A_140 = vector.shape_cast %parallel_loop3A_139 : vector<1x16xf32> to vector<16xf32>
        %parallel_loop3A_141 = arith.mulf %parallel_loop3A_140, %parallel_loop3A_136 : vector<16xf32>
        %parallel_loop3A_142 = arith.index_cast %parallel_loop3A_112 : i32 to index
        %parallel_loop3A_143 = arith.constant 0 : index
        %parallel_loop3A_144 = tpu.vector_load %arg12[%parallel_loop3A_142, %parallel_loop3A_143] {strides = array<i32>} : memref<128x136xf32, #tpu.memory_space<vmem>>, vector<1x16xf32>,
        %parallel_loop3A_145 = vector.shape_cast %parallel_loop3A_144 : vector<1x16xf32> to vector<16xf32>
        %parallel_loop3A_146 = vector.shape_cast %parallel_loop3A_141 : vector<16xf32> to vector<1x16xf32>
        tpu.vector_store %arg12[%parallel_loop3A_142, %parallel_loop3A_143], %parallel_loop3A_146 {strides = array<i32>} : memref<128x136xf32, #tpu.memory_space<vmem>>, vector<1x16xf32>,
        %parallel_loop3A_147 = arith.constant 0 : i32
        %parallel_loop3A_148 = vector.broadcast %parallel_loop3A_147 : i32 to vector<16xi32>
        %parallel_loop3A_149 = arith.cmpi slt, %broadcast_in_dim3A_36, %parallel_loop3A_148 : vector<16xi32>
        %parallel_loop3A_150 = arith.constant 16 : i32
        %parallel_loop3A_151 = vector.broadcast %parallel_loop3A_150 : i32 to vector<16xi32>
        %parallel_loop3A_152 = arith.addi %broadcast_in_dim3A_36, %parallel_loop3A_151 : vector<16xi32>
        %parallel_loop3A_153 = arith.select %parallel_loop3A_149, %parallel_loop3A_152, %broadcast_in_dim3A_36 : vector<16xi1>, vector<16xi32>
        %parallel_loop3A_154 = vector.shape_cast %parallel_loop3A_153 : vector<16xi32> to vector<16x1xi32>
        %parallel_loop3A_155 = vector.shape_cast %parallel_loop3A_154 : vector<16x1xi32> to vector<16xi32>
        %parallel_loop3A_156 = tpu.dynamic_gather %parallel_loop3A_126[%parallel_loop3A_155] in [0] : vector<16xf32>, vector<16xi32> -> vector<16xf32>
        %parallel_loop3A_157 = arith.index_cast %parallel_loop3A_112 : i32 to index
        %parallel_loop3A_158 = arith.constant 16 : index
        %parallel_loop3A_159 = tpu.vector_load %arg12[%parallel_loop3A_157, %parallel_loop3A_158] {strides = array<i32>} : memref<128x136xf32, #tpu.memory_space<vmem>>, vector<1x16xf32>,
        %parallel_loop3A_160 = vector.shape_cast %parallel_loop3A_159 : vector<1x16xf32> to vector<16xf32>
        %parallel_loop3A_161 = arith.mulf %parallel_loop3A_160, %parallel_loop3A_156 : vector<16xf32>
        %parallel_loop3A_162 = arith.index_cast %parallel_loop3A_112 : i32 to index
        %parallel_loop3A_163 = arith.constant 16 : index
        %parallel_loop3A_164 = tpu.vector_load %arg12[%parallel_loop3A_162, %parallel_loop3A_163] {strides = array<i32>} : memref<128x136xf32, #tpu.memory_space<vmem>>, vector<1x16xf32>,
        %parallel_loop3A_165 = vector.shape_cast %parallel_loop3A_164 : vector<1x16xf32> to vector<16xf32>
        %parallel_loop3A_166 = vector.shape_cast %parallel_loop3A_161 : vector<16xf32> to vector<1x16xf32>
        tpu.vector_store %arg12[%parallel_loop3A_162, %parallel_loop3A_163], %parallel_loop3A_166 {strides = array<i32>} : memref<128x136xf32, #tpu.memory_space<vmem>>, vector<1x16xf32>,
        %parallel_loop3A_167 = arith.constant 0 : i32
        %parallel_loop3A_168 = vector.broadcast %parallel_loop3A_167 : i32 to vector<16xi32>
        %parallel_loop3A_169 = arith.cmpi slt, %broadcast_in_dim3A_38, %parallel_loop3A_168 : vector<16xi32>
        %parallel_loop3A_170 = arith.constant 16 : i32
        %parallel_loop3A_171 = vector.broadcast %parallel_loop3A_170 : i32 to vector<16xi32>
        %parallel_loop3A_172 = arith.addi %broadcast_in_dim3A_38, %parallel_loop3A_171 : vector<16xi32>
        %parallel_loop3A_173 = arith.select %parallel_loop3A_169, %parallel_loop3A_172, %broadcast_in_dim3A_38 : vector<16xi1>, vector<16xi32>
        %parallel_loop3A_174 = vector.shape_cast %parallel_loop3A_173 : vector<16xi32> to vector<16x1xi32>
        %parallel_loop3A_175 = vector.shape_cast %parallel_loop3A_174 : vector<16x1xi32> to vector<16xi32>
        %parallel_loop3A_176 = tpu.dynamic_gather %parallel_loop3A_126[%parallel_loop3A_175] in [0] : vector<16xf32>, vector<16xi32> -> vector<16xf32>
        %parallel_loop3A_177 = arith.index_cast %parallel_loop3A_112 : i32 to index
        %parallel_loop3A_178 = arith.constant 32 : index
        %parallel_loop3A_179 = tpu.vector_load %arg12[%parallel_loop3A_177, %parallel_loop3A_178] {strides = array<i32>} : memref<128x136xf32, #tpu.memory_space<vmem>>, vector<1x16xf32>,
        %parallel_loop3A_180 = vector.shape_cast %parallel_loop3A_179 : vector<1x16xf32> to vector<16xf32>
        %parallel_loop3A_181 = arith.mulf %parallel_loop3A_180, %parallel_loop3A_176 : vector<16xf32>
        %parallel_loop3A_182 = arith.index_cast %parallel_loop3A_112 : i32 to index
        %parallel_loop3A_183 = arith.constant 32 : index
        %parallel_loop3A_184 = tpu.vector_load %arg12[%parallel_loop3A_182, %parallel_loop3A_183] {strides = array<i32>} : memref<128x136xf32, #tpu.memory_space<vmem>>, vector<1x16xf32>,
        %parallel_loop3A_185 = vector.shape_cast %parallel_loop3A_184 : vector<1x16xf32> to vector<16xf32>
        %parallel_loop3A_186 = vector.shape_cast %parallel_loop3A_181 : vector<16xf32> to vector<1x16xf32>
        tpu.vector_store %arg12[%parallel_loop3A_182, %parallel_loop3A_183], %parallel_loop3A_186 {strides = array<i32>} : memref<128x136xf32, #tpu.memory_space<vmem>>, vector<1x16xf32>,
        %parallel_loop3A_187 = arith.constant 0 : i32
        %parallel_loop3A_188 = vector.broadcast %parallel_loop3A_187 : i32 to vector<16xi32>
        %parallel_loop3A_189 = arith.cmpi slt, %broadcast_in_dim3A_40, %parallel_loop3A_188 : vector<16xi32>
        %parallel_loop3A_190 = arith.constant 16 : i32
        %parallel_loop3A_191 = vector.broadcast %parallel_loop3A_190 : i32 to vector<16xi32>
        %parallel_loop3A_192 = arith.addi %broadcast_in_dim3A_40, %parallel_loop3A_191 : vector<16xi32>
        %parallel_loop3A_193 = arith.select %parallel_loop3A_189, %parallel_loop3A_192, %broadcast_in_dim3A_40 : vector<16xi1>, vector<16xi32>
        %parallel_loop3A_194 = vector.shape_cast %parallel_loop3A_193 : vector<16xi32> to vector<16x1xi32>
        %parallel_loop3A_195 = vector.shape_cast %parallel_loop3A_194 : vector<16x1xi32> to vector<16xi32>
        %parallel_loop3A_196 = tpu.dynamic_gather %parallel_loop3A_126[%parallel_loop3A_195] in [0] : vector<16xf32>, vector<16xi32> -> vector<16xf32>
        %parallel_loop3A_197 = arith.index_cast %parallel_loop3A_112 : i32 to index
        %parallel_loop3A_198 = arith.constant 48 : index
        %parallel_loop3A_199 = tpu.vector_load %arg12[%parallel_loop3A_197, %parallel_loop3A_198] {strides = array<i32>} : memref<128x136xf32, #tpu.memory_space<vmem>>, vector<1x16xf32>,
        %parallel_loop3A_200 = vector.shape_cast %parallel_loop3A_199 : vector<1x16xf32> to vector<16xf32>
        %parallel_loop3A_201 = arith.mulf %parallel_loop3A_200, %parallel_loop3A_196 : vector<16xf32>
        %parallel_loop3A_202 = arith.index_cast %parallel_loop3A_112 : i32 to index
        %parallel_loop3A_203 = arith.constant 48 : index
        %parallel_loop3A_204 = tpu.vector_load %arg12[%parallel_loop3A_202, %parallel_loop3A_203] {strides = array<i32>} : memref<128x136xf32, #tpu.memory_space<vmem>>, vector<1x16xf32>,
        %parallel_loop3A_205 = vector.shape_cast %parallel_loop3A_204 : vector<1x16xf32> to vector<16xf32>
        %parallel_loop3A_206 = vector.shape_cast %parallel_loop3A_201 : vector<16xf32> to vector<1x16xf32>
        tpu.vector_store %arg12[%parallel_loop3A_202, %parallel_loop3A_203], %parallel_loop3A_206 {strides = array<i32>} : memref<128x136xf32, #tpu.memory_space<vmem>>, vector<1x16xf32>,
        %parallel_loop3A_207 = arith.constant 0 : i32
        %parallel_loop3A_208 = vector.broadcast %parallel_loop3A_207 : i32 to vector<16xi32>
        %parallel_loop3A_209 = arith.cmpi slt, %broadcast_in_dim3A_42, %parallel_loop3A_208 : vector<16xi32>
        %parallel_loop3A_210 = arith.constant 16 : i32
        %parallel_loop3A_211 = vector.broadcast %parallel_loop3A_210 : i32 to vector<16xi32>
        %parallel_loop3A_212 = arith.addi %broadcast_in_dim3A_42, %parallel_loop3A_211 : vector<16xi32>
        %parallel_loop3A_213 = arith.select %parallel_loop3A_209, %parallel_loop3A_212, %broadcast_in_dim3A_42 : vector<16xi1>, vector<16xi32>
        %parallel_loop3A_214 = vector.shape_cast %parallel_loop3A_213 : vector<16xi32> to vector<16x1xi32>
        %parallel_loop3A_215 = vector.shape_cast %parallel_loop3A_214 : vector<16x1xi32> to vector<16xi32>
        %parallel_loop3A_216 = tpu.dynamic_gather %parallel_loop3A_126[%parallel_loop3A_215] in [0] : vector<16xf32>, vector<16xi32> -> vector<16xf32>
        %parallel_loop3A_217 = arith.index_cast %parallel_loop3A_112 : i32 to index
        %parallel_loop3A_218 = arith.constant 64 : index
        %parallel_loop3A_219 = tpu.vector_load %arg12[%parallel_loop3A_217, %parallel_loop3A_218] {strides = array<i32>} : memref<128x136xf32, #tpu.memory_space<vmem>>, vector<1x16xf32>,
        %parallel_loop3A_220 = vector.shape_cast %parallel_loop3A_219 : vector<1x16xf32> to vector<16xf32>
        %parallel_loop3A_221 = arith.mulf %parallel_loop3A_220, %parallel_loop3A_216 : vector<16xf32>
        %parallel_loop3A_222 = arith.index_cast %parallel_loop3A_112 : i32 to index
        %parallel_loop3A_223 = arith.constant 64 : index
        %parallel_loop3A_224 = tpu.vector_load %arg12[%parallel_loop3A_222, %parallel_loop3A_223] {strides = array<i32>} : memref<128x136xf32, #tpu.memory_space<vmem>>, vector<1x16xf32>,
        %parallel_loop3A_225 = vector.shape_cast %parallel_loop3A_224 : vector<1x16xf32> to vector<16xf32>
        %parallel_loop3A_226 = vector.shape_cast %parallel_loop3A_221 : vector<16xf32> to vector<1x16xf32>
        tpu.vector_store %arg12[%parallel_loop3A_222, %parallel_loop3A_223], %parallel_loop3A_226 {strides = array<i32>} : memref<128x136xf32, #tpu.memory_space<vmem>>, vector<1x16xf32>,
        %parallel_loop3A_227 = arith.constant 0 : i32
        %parallel_loop3A_228 = vector.broadcast %parallel_loop3A_227 : i32 to vector<16xi32>
        %parallel_loop3A_229 = arith.cmpi slt, %broadcast_in_dim3A_44, %parallel_loop3A_228 : vector<16xi32>
        %parallel_loop3A_230 = arith.constant 16 : i32
        %parallel_loop3A_231 = vector.broadcast %parallel_loop3A_230 : i32 to vector<16xi32>
        %parallel_loop3A_232 = arith.addi %broadcast_in_dim3A_44, %parallel_loop3A_231 : vector<16xi32>
        %parallel_loop3A_233 = arith.select %parallel_loop3A_229, %parallel_loop3A_232, %broadcast_in_dim3A_44 : vector<16xi1>, vector<16xi32>
        %parallel_loop3A_234 = vector.shape_cast %parallel_loop3A_233 : vector<16xi32> to vector<16x1xi32>
        %parallel_loop3A_235 = vector.shape_cast %parallel_loop3A_234 : vector<16x1xi32> to vector<16xi32>
        %parallel_loop3A_236 = tpu.dynamic_gather %parallel_loop3A_126[%parallel_loop3A_235] in [0] : vector<16xf32>, vector<16xi32> -> vector<16xf32>
        %parallel_loop3A_237 = arith.index_cast %parallel_loop3A_112 : i32 to index
        %parallel_loop3A_238 = arith.constant 80 : index
        %parallel_loop3A_239 = tpu.vector_load %arg12[%parallel_loop3A_237, %parallel_loop3A_238] {strides = array<i32>} : memref<128x136xf32, #tpu.memory_space<vmem>>, vector<1x16xf32>,
        %parallel_loop3A_240 = vector.shape_cast %parallel_loop3A_239 : vector<1x16xf32> to vector<16xf32>
        %parallel_loop3A_241 = arith.mulf %parallel_loop3A_240, %parallel_loop3A_236 : vector<16xf32>
        %parallel_loop3A_242 = arith.index_cast %parallel_loop3A_112 : i32 to index
        %parallel_loop3A_243 = arith.constant 80 : index
        %parallel_loop3A_244 = tpu.vector_load %arg12[%parallel_loop3A_242, %parallel_loop3A_243] {strides = array<i32>} : memref<128x136xf32, #tpu.memory_space<vmem>>, vector<1x16xf32>,
        %parallel_loop3A_245 = vector.shape_cast %parallel_loop3A_244 : vector<1x16xf32> to vector<16xf32>
        %parallel_loop3A_246 = vector.shape_cast %parallel_loop3A_241 : vector<16xf32> to vector<1x16xf32>
        tpu.vector_store %arg12[%parallel_loop3A_242, %parallel_loop3A_243], %parallel_loop3A_246 {strides = array<i32>} : memref<128x136xf32, #tpu.memory_space<vmem>>, vector<1x16xf32>,
        %parallel_loop3A_247 = arith.constant 0 : i32
        %parallel_loop3A_248 = vector.broadcast %parallel_loop3A_247 : i32 to vector<16xi32>
        %parallel_loop3A_249 = arith.cmpi slt, %broadcast_in_dim3A_46, %parallel_loop3A_248 : vector<16xi32>
        %parallel_loop3A_250 = arith.constant 16 : i32
        %parallel_loop3A_251 = vector.broadcast %parallel_loop3A_250 : i32 to vector<16xi32>
        %parallel_loop3A_252 = arith.addi %broadcast_in_dim3A_46, %parallel_loop3A_251 : vector<16xi32>
        %parallel_loop3A_253 = arith.select %parallel_loop3A_249, %parallel_loop3A_252, %broadcast_in_dim3A_46 : vector<16xi1>, vector<16xi32>
        %parallel_loop3A_254 = vector.shape_cast %parallel_loop3A_253 : vector<16xi32> to vector<16x1xi32>
        %parallel_loop3A_255 = vector.shape_cast %parallel_loop3A_254 : vector<16x1xi32> to vector<16xi32>
        %parallel_loop3A_256 = tpu.dynamic_gather %parallel_loop3A_126[%parallel_loop3A_255] in [0] : vector<16xf32>, vector<16xi32> -> vector<16xf32>
        %parallel_loop3A_257 = arith.index_cast %parallel_loop3A_112 : i32 to index
        %parallel_loop3A_258 = arith.constant 96 : index
        %parallel_loop3A_259 = tpu.vector_load %arg12[%parallel_loop3A_257, %parallel_loop3A_258] {strides = array<i32>} : memref<128x136xf32, #tpu.memory_space<vmem>>, vector<1x16xf32>,
        %parallel_loop3A_260 = vector.shape_cast %parallel_loop3A_259 : vector<1x16xf32> to vector<16xf32>
        %parallel_loop3A_261 = arith.mulf %parallel_loop3A_260, %parallel_loop3A_256 : vector<16xf32>
        %parallel_loop3A_262 = arith.index_cast %parallel_loop3A_112 : i32 to index
        %parallel_loop3A_263 = arith.constant 96 : index
        %parallel_loop3A_264 = tpu.vector_load %arg12[%parallel_loop3A_262, %parallel_loop3A_263] {strides = array<i32>} : memref<128x136xf32, #tpu.memory_space<vmem>>, vector<1x16xf32>,
        %parallel_loop3A_265 = vector.shape_cast %parallel_loop3A_264 : vector<1x16xf32> to vector<16xf32>
        %parallel_loop3A_266 = vector.shape_cast %parallel_loop3A_261 : vector<16xf32> to vector<1x16xf32>
        tpu.vector_store %arg12[%parallel_loop3A_262, %parallel_loop3A_263], %parallel_loop3A_266 {strides = array<i32>} : memref<128x136xf32, #tpu.memory_space<vmem>>, vector<1x16xf32>,
        %parallel_loop3A_267 = arith.constant 0 : i32
        %parallel_loop3A_268 = vector.broadcast %parallel_loop3A_267 : i32 to vector<16xi32>
        %parallel_loop3A_269 = arith.cmpi slt, %broadcast_in_dim3A_48, %parallel_loop3A_268 : vector<16xi32>
        %parallel_loop3A_270 = arith.constant 16 : i32
        %parallel_loop3A_271 = vector.broadcast %parallel_loop3A_270 : i32 to vector<16xi32>
        %parallel_loop3A_272 = arith.addi %broadcast_in_dim3A_48, %parallel_loop3A_271 : vector<16xi32>
        %parallel_loop3A_273 = arith.select %parallel_loop3A_269, %parallel_loop3A_272, %broadcast_in_dim3A_48 : vector<16xi1>, vector<16xi32>
        %parallel_loop3A_274 = vector.shape_cast %parallel_loop3A_273 : vector<16xi32> to vector<16x1xi32>
        %parallel_loop3A_275 = vector.shape_cast %parallel_loop3A_274 : vector<16x1xi32> to vector<16xi32>
        %parallel_loop3A_276 = tpu.dynamic_gather %parallel_loop3A_126[%parallel_loop3A_275] in [0] : vector<16xf32>, vector<16xi32> -> vector<16xf32>
        %parallel_loop3A_277 = arith.index_cast %parallel_loop3A_112 : i32 to index
        %parallel_loop3A_278 = arith.constant 112 : index
        %parallel_loop3A_279 = tpu.vector_load %arg12[%parallel_loop3A_277, %parallel_loop3A_278] {strides = array<i32>} : memref<128x136xf32, #tpu.memory_space<vmem>>, vector<1x16xf32>,
        %parallel_loop3A_280 = vector.shape_cast %parallel_loop3A_279 : vector<1x16xf32> to vector<16xf32>
        %parallel_loop3A_281 = arith.mulf %parallel_loop3A_280, %parallel_loop3A_276 : vector<16xf32>
        %parallel_loop3A_282 = arith.index_cast %parallel_loop3A_112 : i32 to index
        %parallel_loop3A_283 = arith.constant 112 : index
        %parallel_loop3A_284 = tpu.vector_load %arg12[%parallel_loop3A_282, %parallel_loop3A_283] {strides = array<i32>} : memref<128x136xf32, #tpu.memory_space<vmem>>, vector<1x16xf32>,
        %parallel_loop3A_285 = vector.shape_cast %parallel_loop3A_284 : vector<1x16xf32> to vector<16xf32>
        %parallel_loop3A_286 = vector.shape_cast %parallel_loop3A_281 : vector<16xf32> to vector<1x16xf32>
        tpu.vector_store %arg12[%parallel_loop3A_282, %parallel_loop3A_283], %parallel_loop3A_286 {strides = array<i32>} : memref<128x136xf32, #tpu.memory_space<vmem>>, vector<1x16xf32>,
        %parallel_loop3A_287 = arith.constant 0 : i32
        %parallel_loop3A_288 = vector.broadcast %parallel_loop3A_287 : i32 to vector<16xi32>
        %parallel_loop3A_289 = arith.cmpi slt, %add3A_53, %parallel_loop3A_288 : vector<16xi32>
        %parallel_loop3A_290 = arith.constant 16 : i32
        %parallel_loop3A_291 = vector.broadcast %parallel_loop3A_290 : i32 to vector<16xi32>
        %parallel_loop3A_292 = arith.addi %add3A_53, %parallel_loop3A_291 : vector<16xi32>
        %parallel_loop3A_293 = arith.select %parallel_loop3A_289, %parallel_loop3A_292, %add3A_53 : vector<16xi1>, vector<16xi32>
        %parallel_loop3A_294 = vector.shape_cast %parallel_loop3A_293 : vector<16xi32> to vector<16x1xi32>
        %parallel_loop3A_295 = vector.shape_cast %parallel_loop3A_294 : vector<16x1xi32> to vector<16xi32>
        %parallel_loop3A_296 = tpu.dynamic_gather %parallel_loop3A_281[%parallel_loop3A_295] in [0] : vector<16xf32>, vector<16xi32> -> vector<16xf32>
        %parallel_loop3A_297 = arith.constant 8 : i32
        %parallel_loop3A_298 = vector.broadcast %parallel_loop3A_297 : i32 to vector<16xi32>
        %parallel_loop3A_299 = arith.cmpi slt, %iota3A, %parallel_loop3A_298 : vector<16xi32>
        %parallel_loop3A_300 = arith.select %parallel_loop3A_299, %parallel_loop3A_296, %parallel_loop3A_126 : vector<16xi1>, vector<16xf32>
        %parallel_loop3A_301 = arith.index_cast %parallel_loop3A_112 : i32 to index
        %parallel_loop3A_302 = arith.constant 120 : index
        %parallel_loop3A_303 = tpu.vector_load %arg12[%parallel_loop3A_301, %parallel_loop3A_302] {strides = array<i32>} : memref<128x136xf32, #tpu.memory_space<vmem>>, vector<1x16xf32>,
        %parallel_loop3A_304 = vector.shape_cast %parallel_loop3A_303 : vector<1x16xf32> to vector<16xf32>
        %parallel_loop3A_305 = vector.shape_cast %parallel_loop3A_300 : vector<16xf32> to vector<1x16xf32>
        tpu.vector_store %arg12[%parallel_loop3A_301, %parallel_loop3A_302], %parallel_loop3A_305 {strides = array<i32>} : memref<128x136xf32, #tpu.memory_space<vmem>>, vector<1x16xf32>,
      } {sc.loop_unroll_factor = 4 : i64, sc.parallel_access}
      "tpu.region"() ({
        %run_scoped3A = tpu.sem_alloc : memref<!tpu.dma_semaphore, #tpu.memory_space<semaphore_mem>>
        %dma_start3A_112 = arith.constant 0 : i32
        %dma_start3A_113 = tpu.memref_slice %arg9[%add3A_81, %dma_start3A_112] : memref<20x128xi32, #tpu.memory_space<vmem>> -> memref<1x128xi32, #tpu.memory_space<vmem>>
        %dma_start3A_114 = tpu.memref_squeeze %dma_start3A_113 : memref<1x128xi32, #tpu.memory_space<vmem>> -> memref<128xi32, #tpu.memory_space<vmem>>
        %dma_start3A_115 = arith.constant 0 : i32
        %dma_start3A_116 = arith.constant 0 : i32
        %dma_start3A_117 = tpu.memref_slice %arg14[%dma_start3A_115, %dma_start3A_116] : memref<10112x136xf32, #tpu.memory_space<vmem_shared>> -> memref<10112x136xf32, #tpu.memory_space<vmem_shared>>
        tpu.enqueue_indirect_dma source(%arg12 : memref<128x136xf32, #tpu.memory_space<vmem>>) target(%dma_start3A_117 : memref<10112x136xf32, #tpu.memory_space<vmem_shared>>) offsets(%dma_start3A_114 : memref<128xi32, #tpu.memory_space<vmem>>) semaphore(%run_scoped3A : memref<!tpu.dma_semaphore, #tpu.memory_space<semaphore_mem>>) {add = true}
        %dma_wait3A_118 = arith.constant 0 : i32
        %dma_wait3A_119 = tpu.memref_slice %arg9[%add3A_81, %dma_wait3A_118] : memref<20x128xi32, #tpu.memory_space<vmem>> -> memref<1x128xi32, #tpu.memory_space<vmem>>
        %dma_wait3A_120 = tpu.memref_squeeze %dma_wait3A_119 : memref<1x128xi32, #tpu.memory_space<vmem>> -> memref<128xi32, #tpu.memory_space<vmem>>
        %dma_wait3A_121 = arith.constant 0 : i32
        %dma_wait3A_122 = arith.constant 0 : i32
        %dma_wait3A_123 = tpu.memref_slice %arg14[%dma_wait3A_121, %dma_wait3A_122] : memref<10112x136xf32, #tpu.memory_space<vmem_shared>> -> memref<10112x136xf32, #tpu.memory_space<vmem_shared>>
        tpu.wait_indirect_dma semaphore(%run_scoped3A : memref<!tpu.dma_semaphore, #tpu.memory_space<semaphore_mem>>) src(%arg12 : memref<128x136xf32, #tpu.memory_space<vmem>>) dst(%dma_wait3A_123 : memref<10112x136xf32, #tpu.memory_space<vmem_shared>>)
        tpu.yield
      }) : () -> ()
      %lt3A_97 = arith.constant 18 : i32
      %lt3A_98 = arith.cmpi slt, %add3A_81, %lt3A_97 : i32
      %convert_element_type3A_99 = arith.extui %lt3A_98 : i1 to i32
      %cond3A_100 = arith.constant 0 : i32
      %cond3A_101 = arith.cmpi ne, %convert_element_type3A_99, %cond3A_100 : i32
      scf.if %cond3A_101 {
        %add3A_112 = arith.constant 2 : i32
        %add3A_113 = arith.addi %add3A_81, %add3A_112 : i32
        %dma_start3A_114 = arith.constant 0 : i32
        %dma_start3A_115 = tpu.memref_slice %arg8[%add3A_113, %dma_start3A_114] : memref<20x128xi32, #tpu.memory_space<vmem>> -> memref<1x128xi32, #tpu.memory_space<vmem>>
        %dma_start3A_116 = tpu.memref_squeeze %dma_start3A_115 : memref<1x128xi32, #tpu.memory_space<vmem>> -> memref<128xi32, #tpu.memory_space<vmem>>
        %dma_start3A_117 = arith.constant 0 : i32
        %dma_start3A_118 = arith.constant 0 : i32
        %dma_start3A_119 = tpu.memref_slice %arg2[%dma_start3A_117, %dma_start3A_118] : memref<10000x136xf32, #tpu.memory_space<hbm>> -> memref<10000x136xf32, #tpu.memory_space<hbm>>
        tpu.enqueue_indirect_dma source(%dma_start3A_119 : memref<10000x136xf32, #tpu.memory_space<hbm>>) target(%arg12 : memref<128x136xf32, #tpu.memory_space<vmem>>) offsets(%dma_start3A_116 : memref<128xi32, #tpu.memory_space<vmem>>) semaphore(%arg17 : memref<!tpu.dma_semaphore, #tpu.memory_space<semaphore_mem>>)
        %dma_start3A_120 = arith.constant 0 : i32
        %dma_start3A_121 = tpu.memref_slice %arg9[%add3A_113, %dma_start3A_120] : memref<20x128xi32, #tpu.memory_space<vmem>> -> memref<1x128xi32, #tpu.memory_space<vmem>>
        %dma_start3A_122 = tpu.memref_squeeze %dma_start3A_121 : memref<1x128xi32, #tpu.memory_space<vmem>> -> memref<128xi32, #tpu.memory_space<vmem>>
        %dma_start3A_123 = arith.constant 0 : i32
        %dma_start3A_124 = arith.constant 0 : i32
        %dma_start3A_125 = tpu.memref_slice %arg3[%dma_start3A_123, %dma_start3A_124] : memref<10000x16xf32, #tpu.memory_space<hbm>> -> memref<10000x16xf32, #tpu.memory_space<hbm>>
        tpu.enqueue_indirect_dma source(%dma_start3A_125 : memref<10000x16xf32, #tpu.memory_space<hbm>>) target(%arg13 : memref<128x16xf32, #tpu.memory_space<vmem>>) offsets(%dma_start3A_122 : memref<128xi32, #tpu.memory_space<vmem>>) semaphore(%arg18 : memref<!tpu.dma_semaphore, #tpu.memory_space<semaphore_mem>>)
      } else {
      }
      %add3A_102 = arith.constant 1 : i32
      %add3A_103 = arith.addi %rem3A_64, %add3A_102 : i32
      %eq3A = arith.constant 19 : i32
      %eq3A_104 = arith.cmpi eq, %add3A_103, %eq3A : i32
      %add3A_105 = arith.constant 2 : i32
      %add3A_106 = arith.addi %mul3A_62, %add3A_105 : i32
      %lt3A_107 = arith.constant 80 : i32
      %lt3A_108 = arith.cmpi slt, %add3A_106, %lt3A_107 : i32
      %and3A = arith.andi %eq3A_104, %lt3A_108 : i1
      %convert_element_type3A_109 = arith.extui %and3A : i1 to i32
      %cond3A_110 = arith.constant 0 : i32
      %cond3A_111 = arith.cmpi ne, %convert_element_type3A_109, %cond3A_110 : i32
      scf.if %cond3A_111 {
        %add3A_112 = arith.constant 2 : i32
        %add3A_113 = arith.addi %mul3A_62, %add3A_112 : i32
        %jit3A = arith.constant 20 : i32
        %div3A = arith.divsi %add3A_113, %jit3A : i32
        %sign3A = arith.constant 0 : i32
        %sign3A_114 = arith.cmpi sgt, %add3A_113, %sign3A : i32
        %sign3A_115 = arith.extui %sign3A_114 : i1 to i32
        %sign3A_116 = arith.constant 0 : i32
        %sign3A_117 = arith.cmpi slt, %add3A_113, %sign3A_116 : i32
        %sign3A_118 = arith.extui %sign3A_117 : i1 to i32
        %sign3A_119 = arith.subi %sign3A_115, %sign3A_118 : i32
        %sign3A_120 = arith.constant 0 : i32
        %sign3A_121 = arith.cmpi sgt, %jit3A, %sign3A_120 : i32
        %sign3A_122 = arith.extui %sign3A_121 : i1 to i32
        %sign3A_123 = arith.constant 0 : i32
        %sign3A_124 = arith.cmpi slt, %jit3A, %sign3A_123 : i32
        %sign3A_125 = arith.extui %sign3A_124 : i1 to i32
        %sign3A_126 = arith.subi %sign3A_122, %sign3A_125 : i32
        %ne3A = arith.cmpi ne, %sign3A_119, %sign3A_126 : i32
        %rem3A_127 = arith.remsi %add3A_113, %jit3A : i32
        %ne3A_128 = arith.constant 0 : i32
        %ne3A_129 = arith.cmpi ne, %rem3A_127, %ne3A_128 : i32
        %and3A_130 = arith.andi %ne3A, %ne3A_129 : i1
        %sub3A = arith.constant 1 : i32
        %sub3A_131 = arith.subi %div3A, %sub3A : i32
        %select_n3A = arith.select %and3A_130, %sub3A_131, %div3A : i32
        %mul3A_132 = arith.constant 20 : i32
        %mul3A_133 = arith.muli %select_n3A, %mul3A_132 : i32
        %add3A_134 = arith.addi %mul3A_4, %mul3A_133 : i32
        "tpu.region"() ({
          %run_scoped3A = tpu.sem_alloc : memref<!tpu.dma_semaphore, #tpu.memory_space<semaphore_mem>>
          %dma_start3A_163 = arith.constant 0 : i32
          %dma_start3A_164 = tpu.memref_slice %arg4[%add3A_134, %dma_start3A_163] : memref<2560x128xi32, #tpu.memory_space<hbm>> -> memref<20x128xi32, #tpu.memory_space<hbm>>
          %dma_start3A_165 = arith.constant 0 : i32
          %dma_start3A_166 = tpu.memref_slice %arg4[%add3A_134, %dma_start3A_165] : memref<2560x128xi32, #tpu.memory_space<hbm>> -> memref<20x128xi32, #tpu.memory_space<hbm>>
          tpu.enqueue_dma source(%dma_start3A_166 : memref<20x128xi32, #tpu.memory_space<hbm>>) target(%arg8 : memref<20x128xi32, #tpu.memory_space<vmem>>) target_semaphore(%run_scoped3A : memref<!tpu.dma_semaphore, #tpu.memory_space<semaphore_mem>>)
          %dma_wait3A_167 = arith.constant 0 : i32
          %dma_wait3A_168 = tpu.memref_slice %arg4[%add3A_134, %dma_wait3A_167] : memref<2560x128xi32, #tpu.memory_space<hbm>> -> memref<20x128xi32, #tpu.memory_space<hbm>>
          %dma_wait3A_169 = arith.constant 0 : i32
          %dma_wait3A_170 = tpu.memref_slice %arg4[%add3A_134, %dma_wait3A_169] : memref<2560x128xi32, #tpu.memory_space<hbm>> -> memref<20x128xi32, #tpu.memory_space<hbm>>
          tpu.wait_dma2 semaphore(%run_scoped3A : memref<!tpu.dma_semaphore, #tpu.memory_space<semaphore_mem>>) src(%dma_wait3A_170 : memref<20x128xi32, #tpu.memory_space<hbm>>) dst(%arg8 : memref<20x128xi32, #tpu.memory_space<vmem>>)
          tpu.yield
        }) : () -> ()
        "tpu.region"() ({
          %run_scoped3A = tpu.sem_alloc : memref<!tpu.dma_semaphore, #tpu.memory_space<semaphore_mem>>
          %dma_start3A_163 = arith.constant 0 : i32
          %dma_start3A_164 = tpu.memref_slice %arg5[%add3A_134, %dma_start3A_163] : memref<2560x128xi32, #tpu.memory_space<hbm>> -> memref<20x128xi32, #tpu.memory_space<hbm>>
          %dma_start3A_165 = arith.constant 0 : i32
          %dma_start3A_166 = tpu.memref_slice %arg5[%add3A_134, %dma_start3A_165] : memref<2560x128xi32, #tpu.memory_space<hbm>> -> memref<20x128xi32, #tpu.memory_space<hbm>>
          tpu.enqueue_dma source(%dma_start3A_166 : memref<20x128xi32, #tpu.memory_space<hbm>>) target(%arg9 : memref<20x128xi32, #tpu.memory_space<vmem>>) target_semaphore(%run_scoped3A : memref<!tpu.dma_semaphore, #tpu.memory_space<semaphore_mem>>)
          %dma_wait3A_167 = arith.constant 0 : i32
          %dma_wait3A_168 = tpu.memref_slice %arg5[%add3A_134, %dma_wait3A_167] : memref<2560x128xi32, #tpu.memory_space<hbm>> -> memref<20x128xi32, #tpu.memory_space<hbm>>
          %dma_wait3A_169 = arith.constant 0 : i32
          %dma_wait3A_170 = tpu.memref_slice %arg5[%add3A_134, %dma_wait3A_169] : memref<2560x128xi32, #tpu.memory_space<hbm>> -> memref<20x128xi32, #tpu.memory_space<hbm>>
          tpu.wait_dma2 semaphore(%run_scoped3A : memref<!tpu.dma_semaphore, #tpu.memory_space<semaphore_mem>>) src(%dma_wait3A_170 : memref<20x128xi32, #tpu.memory_space<hbm>>) dst(%arg9 : memref<20x128xi32, #tpu.memory_space<vmem>>)
          tpu.yield
        }) : () -> ()
        %dma_start3A_135 = arith.constant 0 : i32
        %dma_start3A_136 = arith.constant 0 : i32
        %dma_start3A_137 = tpu.memref_slice %arg8[%dma_start3A_135, %dma_start3A_136] : memref<20x128xi32, #tpu.memory_space<vmem>> -> memref<1x128xi32, #tpu.memory_space<vmem>>
        %dma_start3A_138 = tpu.memref_squeeze %dma_start3A_137 : memref<1x128xi32, #tpu.memory_space<vmem>> -> memref<128xi32, #tpu.memory_space<vmem>>
        %dma_start3A_139 = arith.constant 0 : i32
        %dma_start3A_140 = arith.constant 0 : i32
        %dma_start3A_141 = tpu.memref_slice %arg2[%dma_start3A_139, %dma_start3A_140] : memref<10000x136xf32, #tpu.memory_space<hbm>> -> memref<10000x136xf32, #tpu.memory_space<hbm>>
        tpu.enqueue_indirect_dma source(%dma_start3A_141 : memref<10000x136xf32, #tpu.memory_space<hbm>>) target(%arg10 : memref<128x136xf32, #tpu.memory_space<vmem>>) offsets(%dma_start3A_138 : memref<128xi32, #tpu.memory_space<vmem>>) semaphore(%arg15 : memref<!tpu.dma_semaphore, #tpu.memory_space<semaphore_mem>>)
        %dma_start3A_142 = arith.constant 0 : i32
        %dma_start3A_143 = arith.constant 0 : i32
        %dma_start3A_144 = tpu.memref_slice %arg9[%dma_start3A_142, %dma_start3A_143] : memref<20x128xi32, #tpu.memory_space<vmem>> -> memref<1x128xi32, #tpu.memory_space<vmem>>
        %dma_start3A_145 = tpu.memref_squeeze %dma_start3A_144 : memref<1x128xi32, #tpu.memory_space<vmem>> -> memref<128xi32, #tpu.memory_space<vmem>>
        %dma_start3A_146 = arith.constant 0 : i32
        %dma_start3A_147 = arith.constant 0 : i32
        %dma_start3A_148 = tpu.memref_slice %arg3[%dma_start3A_146, %dma_start3A_147] : memref<10000x16xf32, #tpu.memory_space<hbm>> -> memref<10000x16xf32, #tpu.memory_space<hbm>>
        tpu.enqueue_indirect_dma source(%dma_start3A_148 : memref<10000x16xf32, #tpu.memory_space<hbm>>) target(%arg11 : memref<128x16xf32, #tpu.memory_space<vmem>>) offsets(%dma_start3A_145 : memref<128xi32, #tpu.memory_space<vmem>>) semaphore(%arg16 : memref<!tpu.dma_semaphore, #tpu.memory_space<semaphore_mem>>)
        %dma_start3A_149 = arith.constant 1 : i32
        %dma_start3A_150 = arith.constant 0 : i32
        %dma_start3A_151 = tpu.memref_slice %arg8[%dma_start3A_149, %dma_start3A_150] : memref<20x128xi32, #tpu.memory_space<vmem>> -> memref<1x128xi32, #tpu.memory_space<vmem>>
        %dma_start3A_152 = tpu.memref_squeeze %dma_start3A_151 : memref<1x128xi32, #tpu.memory_space<vmem>> -> memref<128xi32, #tpu.memory_space<vmem>>
        %dma_start3A_153 = arith.constant 0 : i32
        %dma_start3A_154 = arith.constant 0 : i32
        %dma_start3A_155 = tpu.memref_slice %arg2[%dma_start3A_153, %dma_start3A_154] : memref<10000x136xf32, #tpu.memory_space<hbm>> -> memref<10000x136xf32, #tpu.memory_space<hbm>>
        tpu.enqueue_indirect_dma source(%dma_start3A_155 : memref<10000x136xf32, #tpu.memory_space<hbm>>) target(%arg12 : memref<128x136xf32, #tpu.memory_space<vmem>>) offsets(%dma_start3A_152 : memref<128xi32, #tpu.memory_space<vmem>>) semaphore(%arg17 : memref<!tpu.dma_semaphore, #tpu.memory_space<semaphore_mem>>)
        %dma_start3A_156 = arith.constant 1 : i32
        %dma_start3A_157 = arith.constant 0 : i32
        %dma_start3A_158 = tpu.memref_slice %arg9[%dma_start3A_156, %dma_start3A_157] : memref<20x128xi32, #tpu.memory_space<vmem>> -> memref<1x128xi32, #tpu.memory_space<vmem>>
        %dma_start3A_159 = tpu.memref_squeeze %dma_start3A_158 : memref<1x128xi32, #tpu.memory_space<vmem>> -> memref<128xi32, #tpu.memory_space<vmem>>
        %dma_start3A_160 = arith.constant 0 : i32
        %dma_start3A_161 = arith.constant 0 : i32
        %dma_start3A_162 = tpu.memref_slice %arg3[%dma_start3A_160, %dma_start3A_161] : memref<10000x16xf32, #tpu.memory_space<hbm>> -> memref<10000x16xf32, #tpu.memory_space<hbm>>
        tpu.enqueue_indirect_dma source(%dma_start3A_162 : memref<10000x16xf32, #tpu.memory_space<hbm>>) target(%arg13 : memref<128x16xf32, #tpu.memory_space<vmem>>) offsets(%dma_start3A_159 : memref<128xi32, #tpu.memory_space<vmem>>) semaphore(%arg18 : memref<!tpu.dma_semaphore, #tpu.memory_space<semaphore_mem>>)
      } else {
      }
    }
    %scan3A_58 = arith.constant 40 : i32
    %barrier3A_59 = arith.constant 0 : index
    tpu.barrier barrier_id(%barrier3A_59)
    "tpu.region"() ({
      %run_scoped3A = tpu.sem_alloc : memref<!tpu.dma_semaphore, #tpu.memory_space<semaphore_mem>>
      %dma_start3A_60 = arith.constant 0 : i32
      %dma_start3A_61 = tpu.memref_slice %arg7[%arg0, %mul3A_2, %dma_start3A_60] : memref<2x10112x136xf32, #tpu.memory_space<hbm>> -> memref<1x632x136xf32, #tpu.memory_space<hbm>>
      %dma_start3A_62 = tpu.memref_squeeze %dma_start3A_61 : memref<1x632x136xf32, #tpu.memory_space<hbm>> -> memref<632x136xf32, #tpu.memory_space<hbm>>
      %dma_start3A_63 = arith.constant 0 : i32
      %dma_start3A_64 = tpu.memref_slice %arg14[%mul3A_2, %dma_start3A_63] : memref<10112x136xf32, #tpu.memory_space<vmem_shared>> -> memref<632x136xf32, #tpu.memory_space<vmem_shared>>
      tpu.enqueue_dma source(%dma_start3A_64 : memref<632x136xf32, #tpu.memory_space<vmem_shared>>) target(%dma_start3A_62 : memref<632x136xf32, #tpu.memory_space<hbm>>) target_semaphore(%run_scoped3A : memref<!tpu.dma_semaphore, #tpu.memory_space<semaphore_mem>>)
      %dma_wait3A = arith.constant 0 : i32
      %dma_wait3A_65 = tpu.memref_slice %arg7[%arg0, %mul3A_2, %dma_wait3A] : memref<2x10112x136xf32, #tpu.memory_space<hbm>> -> memref<1x632x136xf32, #tpu.memory_space<hbm>>
      %dma_wait3A_66 = tpu.memref_squeeze %dma_wait3A_65 : memref<1x632x136xf32, #tpu.memory_space<hbm>> -> memref<632x136xf32, #tpu.memory_space<hbm>>
      %dma_wait3A_67 = arith.constant 0 : i32
      %dma_wait3A_68 = tpu.memref_slice %arg14[%mul3A_2, %dma_wait3A_67] : memref<10112x136xf32, #tpu.memory_space<vmem_shared>> -> memref<632x136xf32, #tpu.memory_space<vmem_shared>>
      tpu.wait_dma2 semaphore(%run_scoped3A : memref<!tpu.dma_semaphore, #tpu.memory_space<semaphore_mem>>) src(%dma_wait3A_68 : memref<632x136xf32, #tpu.memory_space<vmem_shared>>) dst(%dma_wait3A_66 : memref<632x136xf32, #tpu.memory_space<hbm>>)
      tpu.yield
    }) : () -> ()
    return
  }
}

module attributes {stable_mosaic.version = 14 : i64} {
  func.func @_proj_body(%arg0: i32, %arg1: memref<1000x128xf32, #tpu.memory_space<vmem>>, %arg2: memref<128x128xf32, #tpu.memory_space<vmem>>, %arg3: memref<1x128xf32, #tpu.memory_space<vmem>>, %arg4: memref<1x128xf32, #tpu.memory_space<vmem>>, %arg5: memref<128x8xf32, #tpu.memory_space<vmem>>, %arg6: memref<1000x136xf32, #tpu.memory_space<vmem>>, %arg7: memref<1000x16xf32, #tpu.memory_space<vmem>>) attributes {dimension_semantics = [#tpu.dimension_semantics<arbitrary>], iteration_bounds = array<i64: 10>, scalar_prefetch = 0 : i64, scratch_operands = 0 : i64, tpu.core_type = #tpu.core_type<tc>, window_params = [{transform_indices = @transform_0, window_bounds = array<i64: 1000, 128>}, {pipeline_mode = #tpu.pipeline_mode<synchronous>, transform_indices = @transform_1, window_bounds = array<i64: 128, 128>}, {pipeline_mode = #tpu.pipeline_mode<synchronous>, transform_indices = @transform_2, window_bounds = array<i64: 1, 128>}, {pipeline_mode = #tpu.pipeline_mode<synchronous>, transform_indices = @transform_3, window_bounds = array<i64: 1, 128>}, {pipeline_mode = #tpu.pipeline_mode<synchronous>, transform_indices = @transform_4, window_bounds = array<i64: 128, 8>}, {transform_indices = @transform_5, window_bounds = array<i64: 1000, 136>}, {transform_indices = @transform_6, window_bounds = array<i64: 1000, 16>}]} {
    %get3A = arith.constant 0 : index
    %get3A_0 = arith.constant 0 : index
    %get3A_1 = vector.load %arg1[%get3A, %get3A_0] : memref<1000x128xf32, #tpu.memory_space<vmem>>, vector<1000x128xf32>
    %get3A_2 = arith.constant 0 : index
    %get3A_3 = arith.constant 0 : index
    %get3A_4 = vector.load %arg2[%get3A_2, %get3A_3] : memref<128x128xf32, #tpu.memory_space<vmem>>, vector<128x128xf32>
    %dot_general3A = arith.constant dense<0.000000e+00> : vector<1000x128xf32>
    %dot_general3A_5 = tpu.matmul %get3A_1, %get3A_4, %dot_general3A {dimension_numbers = #tpu.dot_dimension_numbers<[1], [0], [0], [1], [0, 0, 1, 1], [], []>, transpose_lhs_hint = false} : vector<1000x128xf32>, vector<128x128xf32>, vector<1000x128xf32> -> vector<1000x128xf32>
    %get3A_6 = arith.constant 0 : index
    %get3A_7 = arith.constant 0 : index
    %get3A_8 = vector.load %arg3[%get3A_6, %get3A_7] : memref<1x128xf32, #tpu.memory_space<vmem>>, vector<1x128xf32>
    %mul3A = vector.broadcast %get3A_8 : vector<1x128xf32> to vector<1000x128xf32>
    %mul3A_9 = arith.mulf %dot_general3A_5, %mul3A : vector<1000x128xf32>
    %get3A_10 = arith.constant 0 : index
    %get3A_11 = arith.constant 0 : index
    %get3A_12 = vector.load %arg5[%get3A_10, %get3A_11] : memref<128x8xf32, #tpu.memory_space<vmem>>, vector<128x8xf32>
    %dot_general3A_13 = arith.constant dense<0.000000e+00> : vector<1000x8xf32>
    %dot_general3A_14 = tpu.matmul %mul3A_9, %get3A_12, %dot_general3A_13 {dimension_numbers = #tpu.dot_dimension_numbers<[1], [0], [0], [1], [0, 0, 1, 1], [], []>, transpose_lhs_hint = false} : vector<1000x128xf32>, vector<128x8xf32>, vector<1000x8xf32> -> vector<1000x8xf32>
    %get3A_15 = arith.constant 0 : index
    %get3A_16 = arith.constant 0 : index
    %get3A_17 = vector.load %arg4[%get3A_15, %get3A_16] : memref<1x128xf32, #tpu.memory_space<vmem>>, vector<1x128xf32>
    %mul3A_18 = vector.broadcast %get3A_17 : vector<1x128xf32> to vector<1000x128xf32>
    %mul3A_19 = arith.mulf %dot_general3A_5, %mul3A_18 : vector<1000x128xf32>
    %get3A_20 = arith.constant 0 : index
    %get3A_21 = arith.constant 0 : index
    %get3A_22 = vector.load %arg5[%get3A_20, %get3A_21] : memref<128x8xf32, #tpu.memory_space<vmem>>, vector<128x8xf32>
    %dot_general3A_23 = arith.constant dense<0.000000e+00> : vector<1000x8xf32>
    %dot_general3A_24 = tpu.matmul %mul3A_19, %get3A_22, %dot_general3A_23 {dimension_numbers = #tpu.dot_dimension_numbers<[1], [0], [0], [1], [0, 0, 1, 1], [], []>, transpose_lhs_hint = false} : vector<1000x128xf32>, vector<128x8xf32>, vector<1000x8xf32> -> vector<1000x8xf32>
    %concatenate3A = tpu.concatenate %dot_general3A_5, %dot_general3A_14 in 1 : vector<1000x128xf32>, vector<1000x8xf32> -> vector<1000x136xf32>
    %swap3A = arith.constant 0 : index
    %swap3A_25 = arith.constant 0 : index
    %swap3A_26 = vector.load %arg6[%swap3A, %swap3A_25] : memref<1000x136xf32, #tpu.memory_space<vmem>>, vector<1000x136xf32>
    tpu.vector_store %arg6[%swap3A, %swap3A_25], %concatenate3A {strides = array<i32>} : memref<1000x136xf32, #tpu.memory_space<vmem>>, vector<1000x136xf32>,
    %concatenate3A_27 = tpu.concatenate %dot_general3A_24, %dot_general3A_24 in 1 : vector<1000x8xf32>, vector<1000x8xf32> -> vector<1000x16xf32>
    %swap3A_28 = arith.constant 0 : index
    %swap3A_29 = arith.constant 0 : index
    %swap3A_30 = vector.load %arg7[%swap3A_28, %swap3A_29] : memref<1000x16xf32, #tpu.memory_space<vmem>>, vector<1000x16xf32>
    tpu.vector_store %arg7[%swap3A_28, %swap3A_29], %concatenate3A_27 {strides = array<i32>} : memref<1000x16xf32, #tpu.memory_space<vmem>>, vector<1000x16xf32>,
    return
  }
  func.func @transform_0(%arg0: i32) -> (i32, i32) {
    %c0_i32 = arith.constant 0 : i32
    %c0_i32_0 = arith.constant 0 : i32
    return %arg0, %c0_i32 : i32, i32
  }
  func.func @transform_1(%arg0: i32) -> (i32, i32) {
    %c0_i32 = arith.constant 0 : i32
    %c0_i32_0 = arith.constant 0 : i32
    %c0_i32_1 = arith.constant 0 : i32
    return %c0_i32, %c0_i32_0 : i32, i32
  }
  func.func @transform_2(%arg0: i32) -> (i32, i32) {
    %c0_i32 = arith.constant 0 : i32
    %c0_i32_0 = arith.constant 0 : i32
    %c0_i32_1 = arith.constant 0 : i32
    return %c0_i32, %c0_i32_0 : i32, i32
  }
  func.func @transform_3(%arg0: i32) -> (i32, i32) {
    %c0_i32 = arith.constant 0 : i32
    %c0_i32_0 = arith.constant 0 : i32
    %c0_i32_1 = arith.constant 0 : i32
    return %c0_i32, %c0_i32_0 : i32, i32
  }
  func.func @transform_4(%arg0: i32) -> (i32, i32) {
    %c0_i32 = arith.constant 0 : i32
    %c0_i32_0 = arith.constant 0 : i32
    %c0_i32_1 = arith.constant 0 : i32
    return %c0_i32, %c0_i32_0 : i32, i32
  }
  func.func @transform_5(%arg0: i32) -> (i32, i32) {
    %c0_i32 = arith.constant 0 : i32
    %c0_i32_0 = arith.constant 0 : i32
    return %arg0, %c0_i32 : i32, i32
  }
  func.func @transform_6(%arg0: i32) -> (i32, i32) {
    %c0_i32 = arith.constant 0 : i32
    %c0_i32_0 = arith.constant 0 : i32
    return %arg0, %c0_i32 : i32, i32
  }
}

module attributes {stable_mosaic.version = 14 : i64} {
  func.func @_final_body(%arg0: i32, %arg1: memref<2x1000x136xf32, #tpu.memory_space<vmem>>, %arg2: memref<1000x136xf32, #tpu.memory_space<vmem>>, %arg3: memref<1000x16xf32, #tpu.memory_space<vmem>>, %arg4: memref<1x128xf32, #tpu.memory_space<vmem>>, %arg5: memref<8x128xf32, #tpu.memory_space<vmem>>, %arg6: memref<1000x128xf32, #tpu.memory_space<vmem>>) attributes {dimension_semantics = [#tpu.dimension_semantics<arbitrary>], iteration_bounds = array<i64: 10>, scalar_prefetch = 0 : i64, scratch_operands = 0 : i64, tpu.core_type = #tpu.core_type<tc>, window_params = [{transform_indices = @transform_0, window_bounds = array<i64: 2, 1000, 136>}, {transform_indices = @transform_1, window_bounds = array<i64: 1000, 136>}, {transform_indices = @transform_2, window_bounds = array<i64: 1000, 16>}, {pipeline_mode = #tpu.pipeline_mode<synchronous>, transform_indices = @transform_3, window_bounds = array<i64: 1, 128>}, {pipeline_mode = #tpu.pipeline_mode<synchronous>, transform_indices = @transform_4, window_bounds = array<i64: 8, 128>}, {transform_indices = @transform_5, window_bounds = array<i64: 1000, 128>}]} {
    %get3A = arith.constant 0 : index
    %get3A_0 = arith.constant 0 : index
    %get3A_1 = arith.constant 0 : index
    %get3A_2 = vector.load %arg1[%get3A, %get3A_0, %get3A_1] : memref<2x1000x136xf32, #tpu.memory_space<vmem>>, vector<1x1000x136xf32>
    %get3A_3 = vector.shape_cast %get3A_2 : vector<1x1000x136xf32> to vector<1000x136xf32>
    %get3A_4 = arith.constant 1 : index
    %get3A_5 = arith.constant 0 : index
    %get3A_6 = arith.constant 0 : index
    %get3A_7 = vector.load %arg1[%get3A_4, %get3A_5, %get3A_6] : memref<2x1000x136xf32, #tpu.memory_space<vmem>>, vector<1x1000x136xf32>
    %get3A_8 = vector.shape_cast %get3A_7 : vector<1x1000x136xf32> to vector<1000x136xf32>
    %add3A = arith.addf %get3A_3, %get3A_8 : vector<1000x136xf32>
    %slice3A = vector.extract_strided_slice %add3A {offsets = [0, 0], sizes = [1000, 128], strides = [1, 1]} : vector<1000x136xf32> to vector<1000x128xf32>
    %slice3A_9 = vector.extract_strided_slice %add3A {offsets = [0, 128], sizes = [1000, 8], strides = [1, 1]} : vector<1000x136xf32> to vector<1000x8xf32>
    %get3A_10 = arith.constant 0 : index
    %get3A_11 = arith.constant 128 : index
    %get3A_12 = vector.load %arg2[%get3A_10, %get3A_11] : memref<1000x136xf32, #tpu.memory_space<vmem>>, vector<1000x8xf32>
    %get3A_13 = arith.constant 0 : index
    %get3A_14 = arith.constant 0 : index
    %get3A_15 = vector.load %arg3[%get3A_13, %get3A_14] : memref<1000x16xf32, #tpu.memory_space<vmem>>, vector<1000x8xf32>
    %add3A_16 = arith.addf %get3A_12, %get3A_15 : vector<1000x8xf32>
    %mul3A = arith.constant 2.000000e-01 : f32
    %mul3A_17 = vector.broadcast %mul3A : f32 to vector<1000x8xf32>
    %mul3A_18 = arith.mulf %mul3A_17, %add3A_16 : vector<1000x8xf32>
    %max3A = arith.maximumf %add3A_16, %mul3A_18 : vector<1000x8xf32>
    %exp3A = math.exp %max3A : vector<1000x8xf32>
    %add3A_19 = arith.addf %slice3A_9, %exp3A : vector<1000x8xf32>
    %get3A_20 = arith.constant 0 : index
    %get3A_21 = arith.constant 0 : index
    %get3A_22 = vector.load %arg5[%get3A_20, %get3A_21] : memref<8x128xf32, #tpu.memory_space<vmem>>, vector<8x128xf32>
    %dot_general3A = arith.constant dense<0.000000e+00> : vector<1000x128xf32>
    %dot_general3A_23 = tpu.matmul %add3A_19, %get3A_22, %dot_general3A {dimension_numbers = #tpu.dot_dimension_numbers<[1], [0], [0], [1], [0, 0, 1, 1], [], []>, transpose_lhs_hint = false} : vector<1000x8xf32>, vector<8x128xf32>, vector<1000x128xf32> -> vector<1000x128xf32>
    %get3A_24 = arith.constant 0 : index
    %get3A_25 = arith.constant 0 : index
    %get3A_26 = vector.load %arg5[%get3A_24, %get3A_25] : memref<8x128xf32, #tpu.memory_space<vmem>>, vector<8x128xf32>
    %dot_general3A_27 = arith.constant dense<0.000000e+00> : vector<1000x128xf32>
    %dot_general3A_28 = tpu.matmul %exp3A, %get3A_26, %dot_general3A_27 {dimension_numbers = #tpu.dot_dimension_numbers<[1], [0], [0], [1], [0, 0, 1, 1], [], []>, transpose_lhs_hint = false} : vector<1000x8xf32>, vector<8x128xf32>, vector<1000x128xf32> -> vector<1000x128xf32>
    %get3A_29 = arith.constant 0 : index
    %get3A_30 = arith.constant 0 : index
    %get3A_31 = vector.load %arg2[%get3A_29, %get3A_30] : memref<1000x136xf32, #tpu.memory_space<vmem>>, vector<1000x128xf32>
    %mul3A_32 = arith.mulf %dot_general3A_28, %get3A_31 : vector<1000x128xf32>
    %add3A_33 = arith.addf %slice3A, %mul3A_32 : vector<1000x128xf32>
    %div3A = arith.divf %add3A_33, %dot_general3A_23 : vector<1000x128xf32>
    %get3A_34 = arith.constant 0 : index
    %get3A_35 = arith.constant 0 : index
    %get3A_36 = vector.load %arg4[%get3A_34, %get3A_35] : memref<1x128xf32, #tpu.memory_space<vmem>>, vector<1x128xf32>
    %add3A_37 = vector.broadcast %get3A_36 : vector<1x128xf32> to vector<1000x128xf32>
    %add3A_38 = arith.addf %div3A, %add3A_37 : vector<1000x128xf32>
    %max3A_39 = arith.constant 0.000000e+00 : f32
    %max3A_40 = vector.broadcast %max3A_39 : f32 to vector<1000x128xf32>
    %max3A_41 = arith.maximumf %add3A_38, %max3A_40 : vector<1000x128xf32>
    %swap3A = arith.constant 0 : index
    %swap3A_42 = arith.constant 0 : index
    %swap3A_43 = vector.load %arg6[%swap3A, %swap3A_42] : memref<1000x128xf32, #tpu.memory_space<vmem>>, vector<1000x128xf32>
    tpu.vector_store %arg6[%swap3A, %swap3A_42], %max3A_41 {strides = array<i32>} : memref<1000x128xf32, #tpu.memory_space<vmem>>, vector<1000x128xf32>,
    return
  }
  func.func @transform_0(%arg0: i32) -> (i32, i32, i32) {
    %c0_i32 = arith.constant 0 : i32
    %c0_i32_0 = arith.constant 0 : i32
    %c0_i32_1 = arith.constant 0 : i32
    return %c0_i32, %arg0, %c0_i32_0 : i32, i32, i32
  }
  func.func @transform_1(%arg0: i32) -> (i32, i32) {
    %c0_i32 = arith.constant 0 : i32
    %c0_i32_0 = arith.constant 0 : i32
    return %arg0, %c0_i32 : i32, i32
  }
  func.func @transform_2(%arg0: i32) -> (i32, i32) {
    %c0_i32 = arith.constant 0 : i32
    %c0_i32_0 = arith.constant 0 : i32
    return %arg0, %c0_i32 : i32, i32
  }
  func.func @transform_3(%arg0: i32) -> (i32, i32) {
    %c0_i32 = arith.constant 0 : i32
    %c0_i32_0 = arith.constant 0 : i32
    %c0_i32_1 = arith.constant 0 : i32
    return %c0_i32, %c0_i32_0 : i32, i32
  }
  func.func @transform_4(%arg0: i32) -> (i32, i32) {
    %c0_i32 = arith.constant 0 : i32
    %c0_i32_0 = arith.constant 0 : i32
    %c0_i32_1 = arith.constant 0 : i32
    return %c0_i32, %c0_i32_0 : i32, i32
  }
  func.func @transform_5(%arg0: i32) -> (i32, i32) {
    %c0_i32 = arith.constant 0 : i32
    %c0_i32_0 = arith.constant 0 : i32
    return %arg0, %c0_i32 : i32, i32
  }
}

</mosaic_0001>

<sc_bundles>
// kernel: kernel.5.cloned.1.call-start
scs
__scs_entry_jumppad:
0x0: {  	(pc) =	sbr.rel $0x88, $3  }
0x1: {  	(tag) =	ssettag $0x0;
	lr =	simm.s32 $0x1  }
0x2: {  	[smem:$0x3F9B] =	sst lr;
	_ =	strace $0xD0000000  }
0x3: {  	_ = 	snop  }
0x4: {  	_ = 	snop  }
0x5: {  	_ = 	snop  }
0x6: {  	_ = 	snop  }
0x7: {  	_ = 	snop  }
__scs_overlays_trampoline_lowered:
0x8: {  	[smem:$0x3FAA] =	sst s0  }
0x9: {  	[smem:$0x3FAB] =	sst s1  }
0xa: {  	[smem:$0x3FAC] =	sst s2  }
0xb: {  	[smem:$0x3FAD] =	sst s3  }
0xc: {  	[smem:$0x3FAE] =	sst s4  }
0xd: {  	[smem:$0x3FAF] =	sst s5  }
0xe: {  	[smem:$0x3FB0] =	sst s6  }
0xf: {  	[smem:$0x3FB1] =	sst s7  }
0x10: {  	[smem:$0x3FB2] =	sst s8  }
0x11: {  	[smem:$0x3FB3] =	sst s9;
	s0 =	simm.s32 @!p0 $0x0  }
0x12: {  	s1 =	sld [smem:$0x3F99];
	s0 =	simm.s32 @p0 $0x1  }
0x13: {  	[smem:$0x3FB4] =	sst s0;
	s0 =	simm.s32 @!p1 $0x0  }
0x14: {  	s2 =	sld [smem:$0x3F98];
	s0 =	simm.s32 @p1 $0x1  }
0x15: {  	[smem:$0x3FB5] =	sst s0;
	s0 =	simm.s32 @!p2 $0x0  }
0x16: {  	s3 =	sld [smem:$0x3FDB];
	s0 =	simm.s32 @p2 $0x1  }
0x17: {  	s4 =	simm.s32 $0x1BF5;
	[smem:$0x3FB7] =	sst s0  }
0x18: {  	s0 =	sld [smem:$0x3F9A];
	_ =	swait.ge [sflag:s4], $0x0  }
0x19: {  	s7 =	sld [smem:$0x3F9B]  }
0x1a: {  	s8 =	sadd.s32 $0xFFFFE003, lr  }
0x1b: {  	s9 =	sadd.s32 $0xFFFFFEF7, lr;
	s5 =	simm.s32 $0xFFFFFFFF;
	p2 =	slt.u32 s8, $0xFFFFF086  }
0x1c: {  	p1 =	slt.u32 s9, $0xF7A;
	s5 =	simm.s32 @!p2 $0x0  }
0x1d: {  	s5 =	simm.s32 @p1 $0x1;
	p0 =	seq.s32 s7, s2  }
0x1e: {  	s7 =	smul.u32 @!p0 $0xF7A, s2;
	p2 =	seq.s32 @!p0 s5, $0x0  }
0x1f: {  	s9 =	smul.u32 $0xF7A, s1;
	s8 =	simm.s32 @!p0 $0x1BF5;
	p2 =	por !p2, p0  }
0x20: {  	[sflag:s8] =	ssyncset.s32 @!p0 $0xFFFFF086;
	s6 =	sadd.s32 @!p0 s3, s7;
	s7 =	simm.s32 @!p0 $0x108  }
0x21: {  	s3 =	sadd.s32 s3, s9;
	s6 =	sadd.s32 @!p0 $0x88, s6;
	s7 =	simm.s32 @p2 $0x1082  }
0x22: {  	[simem:s7], [sflag:s8] =	dma.local @!p0 [hbm:s6], $0xF7A  }
0x23: {  	s9 =	sor.u32 $0xD0000000, s2;
	s6 =	simm.s32 $0x108;
	_ =	swait.ge @!p0 [sflag:s8], $0x0  }
0x24: {  	s3 =	sadd.s32 $0x88, s3;
	s6 =	simm.s32 @!p1 $0x1082;
	[sflag:s4] =	ssyncset.s32 $0xFFFFF086  }
0x25: {  	[simem:s6], [sflag:s4] =	dma.local [hbm:s3], $0xF7A  }
0x26: {  	[smem:$0x3F9B] =	sst s1;
	(tag) =	ssettag s2;
	_ =	strace s9  }
0x27: {  	s1 =	sld [smem:$0x3FAB]  }
0x28: {  	s2 =	sld [smem:$0x3FAC]  }
0x29: {  	s4 =	sld [smem:$0x3FAE]  }
0x2a: {  	p0 =	seq.s32 s5, $0x0;
	s5 =	sld [smem:$0x3FAF]  }
0x2b: {  	s6 =	sld [smem:$0x3FB0]  }
0x2c: {  	s7 =	sld [smem:$0x3FB1]  }
0x2d: {  	s3 =	simm.s32 $0x108;
	s8 =	sld [smem:$0x3FB2]  }
0x2e: {  	s3 =	simm.s32 @!p0 $0x1082;
	s9 =	sld [smem:$0x3FB3]  }
0x2f: {  	lr =	sadd.s32 s0, s3;
	s0 =	sld [smem:$0x3FAA]  }
0x30: {  	s3 =	sld [smem:$0x3FAD]  }
0x31: {  	[smem:$0x3FB6] =	sst s10  }
0x32: {  	s10 =	sld [smem:$0x3FB4];
	_ =	sdelay $0x3  }
0x33: {  	p0 =	seq.s32 s10, $0x1;
	s10 =	sld [smem:$0x3FB6];
	_ =	sdelay $0x3  }
0x34: {  	[smem:$0x3FB6] =	sst s10  }
0x35: {  	s10 =	sld [smem:$0x3FB5];
	_ =	sdelay $0x3  }
0x36: {  	p1 =	seq.s32 s10, $0x1;
	s10 =	sld [smem:$0x3FB6];
	_ =	sdelay $0x3  }
0x37: {  	[smem:$0x3FB6] =	sst s10  }
0x38: {  	s10 =	sld [smem:$0x3FB7]  }
0x39: {  	_ = 	snop;
	(pc) =	sbr.ind lr, $3  }
0x3a: {  	_ = 	snop  }
0x3b: {  	_ = 	snop  }
0x3c: {  	p2 =	seq.s32 s10, $0x1;
	s10 =	sld [smem:$0x3FB6]  }
0x3d: {  	_ =	shalt  }
0x3e: {  	_ =	shalt  }
0x3f: {  	_ =	shalt  }
0x40: {  	_ =	shalt  }
0x41: {  	_ =	shalt  }
0x42: {  	_ =	shalt  }
0x43: {  	_ =	shalt  }
0x44: {  	_ =	shalt  }
0x45: {  	_ =	shalt  }
0x46: {  	_ =	shalt  }
0x47: {  	_ =	shalt  }
0x48: {  	_ =	shalt  }
0x49: {  	_ =	shalt  }
0x4a: {  	_ =	shalt  }
0x4b: {  	_ =	shalt  }
0x4c: {  	_ =	shalt  }
0x4d: {  	_ =	shalt  }
0x4e: {  	_ =	shalt  }
0x4f: {  	_ =	shalt  }
0x50: {  	_ =	shalt  }
0x51: {  	_ =	shalt  }
0x52: {  	_ =	shalt  }
0x53: {  	_ =	shalt  }
0x54: {  	_ =	shalt  }
0x55: {  	_ =	shalt  }
0x56: {  	_ =	shalt  }
0x57: {  	_ =	shalt  }
0x58: {  	_ =	shalt  }
0x59: {  	_ =	shalt  }
0x5a: {  	_ =	shalt  }
0x5b: {  	_ =	shalt  }
0x5c: {  	_ =	shalt  }
0x5d: {  	_ =	shalt  }
0x5e: {  	_ =	shalt  }
0x5f: {  	_ =	shalt  }
0x60: {  	_ =	shalt  }
0x61: {  	_ =	shalt  }
0x62: {  	_ =	shalt  }
0x63: {  	_ =	shalt  }
0x64: {  	_ =	shalt  }
0x65: {  	_ =	shalt  }
0x66: {  	_ =	shalt  }
0x67: {  	_ =	shalt  }
0x68: {  	_ =	shalt  }
0x69: {  	_ =	shalt  }
0x6a: {  	_ =	shalt  }
0x6b: {  	_ =	shalt  }
0x6c: {  	_ =	shalt  }
0x6d: {  	_ =	shalt  }
0x6e: {  	_ =	shalt  }
0x6f: {  	_ =	shalt  }
0x70: {  	_ =	shalt  }
0x71: {  	_ =	shalt  }
0x72: {  	_ =	shalt  }
0x73: {  	_ =	shalt  }
0x74: {  	_ =	shalt  }
0x75: {  	_ =	shalt  }
0x76: {  	_ =	shalt  }
0x77: {  	_ =	shalt  }
0x78: {  	_ =	shalt  }
0x79: {  	_ =	shalt  }
0x7a: {  	_ =	shalt  }
0x7b: {  	_ =	shalt  }
0x7c: {  	_ =	shalt  }
0x7d: {  	_ =	shalt  }
0x7e: {  	_ =	shalt  }
0x7f: {  	_ =	shalt  }
0x80: {  	_ =	shalt  }
0x81: {  	_ =	shalt  }
0x82: {  	_ =	shalt  }
0x83: {  	_ =	shalt  }
0x84: {  	_ =	shalt  }
0x85: {  	_ =	shalt  }
0x86: {  	_ =	shalt  }
0x87: {  	_ =	shalt  }
.Lfunc_end0:
.L_simem_size_0:
called_computation_lowered:
.L_overlay_start_0:
0x88: {  	s2 =	sld [smem:$0x3FD9]  }
0x89: {  	s3 =	sld [smem:$0x3FFE];
	_ =	sdelay $0x1  }
0x8a: {  	s1 =	srdreg.scid  }
0x8b: {  	s0 =	sand.u32 $0x1, s1  }
0x8c: {  	s17 =	sshll.u32 s0, $0xA;
	s2 =	sadd.s32 s3, s2  }
0x8d: {  	s2 =	sadd.s32 s2, s17  }
0x8e: {  	[smem:$0x3FC2] =	sst s2  }
0x8f: {  	_ = 	snop  }
0x90: {  	s2 =	sld [smem:$0x3FD0];
	(tm) =	ssettm $0x1  }
0x91: {  	s18 =	sld [smem:$0x3FFB];
	_ =	sdelay $0x3  }
0x92: {  	_ =	strace s18  }
0x93: {  	s3 =	sld [smem:$0x3FFC];
	_ =	sdelay $0x3  }
0x94: {  	_ =	strace s3  }
0x95: {  	s3 =	sld [smem:$0x3FFD];
	_ =	sdelay $0x3  }
0x96: {  	_ =	strace s3  }
0x97: {  	_ =	strace $0x8FFFFFFF  }
0x98: {  	s19 =	sld [smem:$0x3FDB];
	_ =	sdelay $0x1  }
0x99: {  	s4 =	simm.s32 $_scs_section_size  }
0x9a: {  	s5 =	simm.s32 $_size__tile_overlayer_lowered;
	s6 =	simm.s32 $_tile_overlayer_lowered  }
0x9b: {  	s22 =	simm.s32 $0x1BFF;
	s21 =	sshll.u32 s6, $0x1;
	s3 =	sadd.s32 s4, s19  }
0x9c: {  	s7 =	simm.s32 $0x0;
	s20 =	sshll.u32 s5, $0x1;
	s5 =	sadd.s32 s21, s3  }
0x9d: {  	[timem:s7], [sflag:s22] =	dma.local [hbm:s5], s20  }
0x9e: {  	_ =	swait.ge [sflag:s22], s20  }
0x9f: {  	s4 =	ssub.s32 $0x0, s20;
	[sflag:s22] =	ssyncset.done $0x0  }
0xa0: {  	[sflag:s22] =	ssyncadd.s32 s4;
	_ =	sdelay $0x1  }
0xa1: {  	s23 =	simm.s32 $0x1B8B  }
0xa2: {  	_ =	swait.ge [sflag:s23], $0x1  }
0xa3: {  	[sflag:s23] =	ssyncset.done $0x0  }
0xa4: {  	s25 =	simm.s32 $0x1B8E;
	s24 =	sld [smem:$0x3FFE];
	[sflag:s23] =	ssyncadd.s32 $0xFFFFFFFF  }
0xa5: {  	s26 =	simm.s32 $execute0_lowered;
	[smem:$0x3FD2] =	sst s25  }
0xa6: {  	s5 =	sshll.u32 s26, $0x1;
	_ =	strace $0x80000046;
	[dreg:$0x1] =	wrdreg $0xFFFFFFFF  }
0xa7: {  	s28 =	simm.s32 $_size_execute0_lowered;
	s3 =	sadd.s32 s3, s5;
	[dreg:$0x0] =	wrdreg $0x0  }
0xa8: {  	s5 =	sshll.u32 s28, $0x1;
	[dreg:$0x2] =	wrdreg s3  }
0xa9: {  	[dreg:$0x3] =	wrdreg s5  }
0xaa: {  	[dreg:$0x4] =	wrdreg $0xC0  }
0xab: {  	_ =	task [dreg:s7], $0x5FFFF  }
0xac: {  	[dreg:$0x1] =	wrdreg $0xFFFFFFFF  }
0xad: {  	[dreg:$0x0] =	wrdreg $0x60  }
0xae: {  	[dreg:$0x2] =	wrdreg s24  }
0xaf: {  	[dreg:$0x3] =	wrdreg s2  }
0xb0: {  	[dreg:$0x4] =	wrdreg $0xAC000  }
0xb1: {  	[dreg:$0x5] =	wrdreg $0x9  }
0xb2: {  	_ =	task.clear_ibuf [dreg:s7], $0x6FFFF;
	_ =	strace $0x90000046  }
0xb3: {  	s29 =	simm.s32 $0x9;
	_ =	strace $0x80000048  }
0xb4: {  	_ =	swait.ge [sflag:s29], $0x1  }
0xb5: {  	[sflag:s29] =	ssyncadd.s32 $0xFFFFFFFF  }
0xb6: {  	_ =	strace $0x90000048  }
0xb7: {  	_ =	sfence  }
0xb8: {  	s30 =	sld [smem:$0x0];
	_ =	sdelay $0x2  }
0xb9: {  	s31 =	sshll.u32 s1, $0xD;
	s1 =	sshrl.u32 s1, $0x2  }
0xba: {  	s3 =	sand.u32 $0x4000, s31;
	s1 =	sadd.s32 s1, s30  }
0xbb: {  	s0 =	sor.u32 s3, s0;
	s1 =	sshll.u32 s1, $0x11  }
0xbc: {  	s0 =	sor.u32 s1, s0  }
0xbd: {  	s0 =	sadd.s32 $0x8F2B, s0  }
0xbe: {  	[sflag:s0] =	ssyncadd.remote.s32 $0x1  }
0xbf: {  	_ =	sfence.sel $0xFFFF  }
0xc0: {  	[dreg:$0x0] =	wrdreg $0xFFFFFFFF;
	(pc) =	sbr.abs _section_cstart, $3  }
0xc1: {  	[dreg:$0x1] =	wrdreg $0xFFFFFFFF  }
0xc2: {  	_ =	task.clear_ibuf [dreg:s7], $0x2FFFF;
	_ =	strace $0x9FFFFFFF  }
0xc3: {  	(tm) =	ssettm $0x7FFFFFFF  }
tec
execute0_lowered:
.L_overlay_start_1:
0x0: {  	(tag) =	ssettag $0x1  }
0x1: {  	s0 =	rddreg [dreg:$0x0]  }
0x2: {  	s1 =	rddreg [dreg:$0x1]  }
0x3: {  	s2 =	rddreg [dreg:$0x2];
	s4 =	simm.s32 $0x0  }
0x4: {  	s3 =	srdreg.scid;
	s20 =	stileid.u32;
	s14 =	simm.s32 $0x5  }
0x5: {  	s15 =	simm.s32 $0xA00;
	s16 =	simm.s32 $0x80;
	s17 =	simm.s32 $0x1400  }
0x6: {  	s18 =	simm.s32 $0x5800;
	s19 =	simm.s32 $0x6000;
	s21 =	simm.s32 $0xA400  }
0x7: {  	s24 =	simm.s32 $0x1;
	s28 =	simm.s32 $0x4;
	s29 =	simm.s32 $0x0  }
0x8: {  	[smem:$0x7FF] =	sst s4;
	s3 =	sand.u32 $0x1, s3;
	s8 =	smul.u32 $0x14FC0, s20  }
0x9: {  	s5 =	sadd.s32 $0x600, s0;
	s6 =	sadd.s32 $0x2A000, s0;
	s7 =	sadd.s32 $0x2F000, s0  }
0xa: {  	s10 =	sadd.s32 $0x39000, s0;
	s31 =	sshll.u32 s20, $0x6;
	_ =	strace $0x80000047  }
0xb: {  	s9 =	smul.u32 $0x14FC00, s3;
	[dreg:$0x4] =	wrdreg s10;
	s25 =	sshll.u32 s3, $0x4  }
0xc: {  	s3 =	ssub.s32 $0x2, s3;
	s22 =	sor.u32 $0x1C05, s31;
	s10 =	sor.u32 s20, s25  }
0xd: {  	s11 =	sshrl.u32 s3, $0x1;
	s25 =	simm.s32 $0x2;
	s12 =	smul.u32 $0x500, s10  }
.Ltmp0:
0xe: {  	s9 =	sadd.s32 s8, s9;
	s3 =	ssub.s32 s3, s11;
	(pc) =	sbr.rel .LBB2_1-.Ltmp0, $4  }
0xf: {  	v7 =	vimm.s32 $0x8;
	v8 =	vimm.s32 $0x9;
	s8 =	sadd.s32 s8, s2;
	s9 =	sshrl.u32 s9, $0x3;
	s13 =	smax.u32 s3, $0x1  }
0x10: {  	v38 =	vimm.s32 $0xA;
	v40 =	vimm.s32 $0xB;
	v0 =	vlaneseq.u32;
	s23 =	sshrl.u32 s8, $0x3;
	s0 =	sadd.s32 s9, s0;
	s26 =	sadd.s32 s1, s12  }
0x11: {  	v42 =	vimm.s32 $0xC;
	v32 =	vimm.s32 $0xD;
	v29 =	vor.u32 $0x8, v0;
	s9 =	smul.u32 $0x50, s10;
	s30 =	sadd.s32 s7, s12;
	[dreg:$0x5] =	wrdreg s26  }
0x12: {  	v41 =	vimm.s32 $0xE;
	v33 =	vimm.s32 $0xF;
	vm0 =	vmmov $0xff;
	[tilespmem:$0x1FFF0] =	vst v29;
	[dreg:$0x6] =	wrdreg s30;
	s12 =	sadd.s32 $0x3BA00, s0;
	s26 =	simm.s32 $0x3  }
.LBB2_12:
0x13: {  	s29 =	sadd.s32 $0x1, s29  }
0x14: {  	p0 =	sne.s32 s29, s13  }
.Ltmp1:
0x15: {  	[bflag:$0x0] =	sbarrier.arrive $0xFFFF;
	(pc) =	sbr.rel @!p0 .LBB2_13-.Ltmp1, $4  }
0x16: {  	[hbm:s12], [sflag:s22] =	dma.local [spmem:s23], $0x29F8  }
0x17: {  	_ =	swait.ge [sflag:s14], $0x29F8  }
0x18: {  	[sflag:s14] =	ssyncset.done $0x0  }
0x19: {  	[sflag:s14] =	ssyncadd.s32 $0xFFFFD608  }
.LBB2_1:
0x1a: {  	s0 =	rddreg [dreg:$0x5]  }
0x1b: {  	[tilespmem:s4], [sflag:$0x5] =	stream.linear.gather [hbm4b:s0+s4], $0xA00, $0x38;
	[tilespmem:$0x1FBC0] =	vst v63  }
0x1c: {  	_ =	swait.ge [sflag:s14], $0xA00  }
0x1d: {  	[sflag:s14] =	ssyncset.done $0x0  }
0x1e: {  	s11 =	rddreg [dreg:$0x6];
	[sflag:s14] =	ssyncadd.s32 $0xFFFFF600  }
0x1f: {  	[tilespmem:s15], [sflag:$0x5] =	stream.linear.gather [hbm4b:s11+s4], $0xA00, $0x38;
	[tilespmem:$0x1FBC0] =	vst v63  }
0x20: {  	_ =	swait.ge [sflag:s14], $0xA00  }
0x21: {  	[sflag:s14] =	ssyncset.done $0x0  }
0x22: {  	[sflag:s14] =	ssyncadd.s32 $0xFFFFF600  }
0x23: {  	[tilespmem:s17], [sflag:$0x1] =	stream.indirect.gather [hbm4b:s5+s16], $0x88, s4, s16, $0xb8;
	[tilespmem:$0x1FBC0] =	vst v63  }
0x24: {  	_ = 	snop  }
0x25: {  	[tilespmem:s18], [sflag:$0x2] =	stream.indirect.gather [hbm4b:s6+s16], $0x10, s15, s16, $0xb8;
	[tilespmem:$0x1FBC0] =	vst v63  }
0x26: {  	_ = 	snop  }
0x27: {  	[tilespmem:s19], [sflag:$0x3] =	stream.indirect.gather [hbm4b:s5+s16], $0x88, s16, s16, $0xb8;
	[tilespmem:$0x1FBC0] =	vst v63  }
0x28: {  	s20 =	simm.s32 $0xA80;
	s31 =	rddreg [dreg:$0x4]  }
0x29: {  	[tilespmem:s21], [sflag:$0x4] =	stream.indirect.gather [hbm4b:s6+s16], $0x10, s20, s16, $0xb8;
	[tilespmem:$0x1FBC0] =	vst v63  }
0x2a: {  	[spmem:s23], [sflag:s22] =	dma.local [hbm:s31], $0x29F8  }
.Ltmp2:
0x2b: {  	_ =	swait.ge [sflag:s14], $0x29F8;
	(pc) =	sbr.rel .LBB2_2-.Ltmp2, $4  }
0x2c: {  	[sflag:s14] =	ssyncset.done $0x0  }
0x2d: {  	[sflag:s14] =	ssyncadd.s32 $0xFFFFD608  }
0x2e: {  	[bflag:$0x0] =	sbarrier.arrive $0xFFFF  }
0x2f: {  	s30 =	simm.s32 $0x0  }
.LBB2_7:
0x30: {  	s0 =	sadd.s32 $0x180, s3;
	v7 =	vimm.s32 $0x8  }
0x31: {  	v8 =	vimm.s32 $0x9;
	v38 =	vimm.s32 $0xA;
	v40 =	vimm.s32 $0xB;
	[tilespmem:s19], [sflag:$0x3] =	stream.indirect.gather [hbm4b:s5+s16], $0x88, s0, s16, $0xb8;
	[tilespmem:$0x1FBC0] =	vst v63  }
0x32: {  	v42 =	vimm.s32 $0xC;
	v32 =	vimm.s32 $0xD;
	v33 =	vimm.s32 $0xF;
	s0 =	sadd.s32 $0xB80, s3  }
.LBB2_10:
0x33: {  	[tilespmem:s21], [sflag:$0x4] =	stream.indirect.gather [hbm4b:s6+s16], $0x10, s0, s16, $0xb8;
	[tilespmem:$0x1FBC0] =	vst v63  }
.LBB2_11:
0x34: {  	s30 =	sadd.s32 $0x1, s30  }
0x35: {  	p0 =	sne.s32 s30, $0x28  }
.Ltmp3:
0x36: {  	_ = 	snop;
	(pc) =	sbr.rel @!p0 .LBB2_12-.Ltmp3, $1  }
0x37: {  	_ =	sdelay $0x3  }
.LBB2_2:
0x38: {  	_ =	swait.ge [sflag:s24], $0x4400  }
0x39: {  	[sflag:s24] =	ssyncset.done $0x0  }
0x3a: {  	[sflag:s24] =	ssyncadd.s32 $0xFFFFBC00  }
0x3b: {  	_ =	swait.ge [sflag:s25], $0x800  }
0x3c: {  	[sflag:s25] =	ssyncset.done $0x0  }
0x3d: {  	s20 =	simm.s32 $0x1510;
	[sflag:s25] =	ssyncadd.s32 $0xFFFFF800  }
0x3e: {  	s0 =	simm.s32 $0x5820;
	v0 =	vld [tilespmem:s20+$0x100]  }
0x3f: {  	v1 =	vld [tilespmem:s0+$0x10];
	_ =	sdelay $0x2  }
0x40: {  	v2 =	vld [tilespmem:s0+$0xFFFFFFE0]  }
0x41: {  	v3 =	vld [tilespmem:s20+$0xFFFFFFF0]  }
0x42: {  	v4 =	vld [tilespmem:s0+$0xFFFFFFF0];
	v0 =	vadd.f32 v1, v0  }
0x43: {  	v5 =	vld [tilespmem:s20+$0x78]  }
0x44: {  	v6 =	vld [tilespmem:s0+$0x0];
	v9 =	vmul.f32 $2.000000030e-01, v0  }
0x45: {  	v30 =	vld [tilespmem:s20+$0xFFFFFF60]  }
0x46: {  	v1 =	vld [tilespmem:s20+$0xFFFFFF68];
	v0 =	vmax.f32 v0, v9  }
0x47: {  	v31 =	vld [tilespmem:s20+$0x70];
	v3 =	vadd.f32 v4, v3;
	v0 =	vmul.f32 $1.442695020e+00, v0  }
0x48: {  	v13 =	vld [tilespmem:s20+$0xFFFFFEF0]  }
0x49: {  	v14 =	vld [tilespmem:s20+$0xFFFFFF00];
	v9 =	vmul.f32 $2.000000030e-01, v3;
	(erf) = vpow2.f32 v0  }
0x4a: {  	v15 =	vld [tilespmem:s20+$0xFFFFFF10]  }
0x4b: {  	v17 =	vld [tilespmem:s20+$0xFFFFFF20];
	v5 =	vadd.f32 v6, v5;
	v1 =	vadd.f32 v2, v1;
	v2 =	vmax.f32 v3, v9  }
0x4c: {  	v16 =	vld [tilespmem:s20+$0xFFFFFF30];
	v2 =	vmul.f32 $1.442695020e+00, v2  }
0x4d: {  	v18 =	vld [tilespmem:s20+$0xFFFFFF40];
	v3 =	vmul.f32 $2.000000030e-01, v5  }
0x4e: {  	v19 =	vld [tilespmem:s20+$0xFFFFFF50];
	v0 =	vmul.f32 $2.000000030e-01, v1;
	(erf) = vpow2.f32 v2  }
0x4f: {  	v20 =	vld [tilespmem:s20+$0xFFFFFF78];
	v3 =	vmax.f32 v5, v3  }
0x50: {  	v21 =	vld [tilespmem:s20+$0xFFFFFF88];
	v0 =	vmax.f32 v1, v0;
	v1 =	vmul.f32 $1.442695020e+00, v3  }
0x51: {  	v22 =	vld [tilespmem:s20+$0xFFFFFF98];
	v0 =	vmul.f32 $1.442695020e+00, v0  }
0x52: {  	v23 =	vld [tilespmem:s20+$0xFFFFFFA8];
	(erf) = vpow2.f32 v1;
	v25 =	vpop (erf)  }
0x53: {  	(erf) = vpow2.f32 v0;
	v0 =	vld [tilespmem:s20+$0xF8];
	v2 =	vperm.xlane v25, v38  }
0x54: {  	v24 =	vld [tilespmem:s20+$0xFFFFFFB8]  }
0x55: {  	v4 =	vld [tilespmem:s20+$0xFFFFFFE8];
	[tilespmem:$0x1FFD0] =	vst v2;
	v2 =	vperm.xlane v25, v40  }
0x56: {  	v11 =	vperm.xlane v25, v7;
	v1 =	vperm.xlane v25, v33  }
0x57: {  	v12 =	vperm.xlane v25, v8;
	v43 =	vperm.xlane v25, v42;
	v46 =	vpop (erf);
	v26 =	vld [tilespmem:s20+$0xFFFFFFC8];
	[tilespmem:$0x1FFE0] =	vst v2  }
0x58: {  	v1 =	vmul.f32 v0, v1;
	v44 =	vperm.xlane v46, v7;
	v27 =	vld [tilespmem:s20+$0xFFFFFFD8]  }
0x59: {  	v0 =	vperm.xlane v46, v33;
	v45 =	vperm.xlane v46, v8;
	v28 =	vld [tilespmem:s20+$0x0]  }
0x5a: {  	v62 =	vperm.xlane v46, v38;
	v2 =	vperm.xlane v1, v29;
	v29 =	vld [tilespmem:s20+$0x10]  }
0x5b: {  	v9 =	vimm.s32 $0xD;
	v58 =	vperm.xlane v46, v40;
	v59 =	vperm.xlane v46, v42;
	v36 =	vld [tilespmem:s20+$0x20]  }
0x5c: {  	v56 =	vperm.xlane v46, v9;
	v55 =	vperm.xlane v46, v41;
	v47 =	vpop (erf);
	v34 =	vld [tilespmem:s20+$0x30]  }
0x5d: {  	v60 =	vmul.f32 v4, v0;
	v0 =	vperm.xlane v47, v33;
	v39 =	vld [tilespmem:s20+$0x40]  }
0x5e: {  	v57 =	vpop (erf);
	v54 =	vperm.xlane v47, v7;
	v53 =	vperm.xlane v47, v8;
	v37 =	vld [tilespmem:s20+$0x60]  }
0x5f: {  	v52 =	vperm.xlane v47, v38;
	v3 =	vperm.xlane v57, v33;
	v33 =	vld [tilespmem:s20+$0xA8]  }
0x60: {  	v51 =	vperm.xlane v47, v40;
	v50 =	vperm.xlane v47, v42;
	v35 =	vld [tilespmem:s20+$0xB8]  }
0x61: {  	v49 =	vperm.xlane v47, v9;
	v4 =	vperm.xlane v57, v40;
	v40 =	vld [tilespmem:s20+$0xD8]  }
0x62: {  	v48 =	vperm.xlane v47, v41;
	[tilespmem:s20+$0xF8] =	vst v1;
	v5 =	vmul.f32 v31, v0;
	v31 =	vld [tilespmem:s20+$0x88]  }
0x63: {  	v61 =	vperm.xlane v57, v7;
	v0 =	vperm.xlane v57, v38;
	v1 =	vsel vm0, v2, v25;
	[tilespmem:s20+$0xFFFFFFE8] =	vst v60;
	v38 =	vld [tilespmem:s20+$0xC8]  }
0x64: {  	v63 =	vperm.xlane v57, v8;
	v6 =	vmul.f32 v30, v3;
	v30 =	vld [tilespmem:s20+$0x50];
	[tilespmem:s20+$0x100] =	vst v1  }
0x65: {  	v2 =	vperm.xlane v57, v42;
	v3 =	vperm.xlane v57, v32;
	v32 =	vld [tilespmem:s20+$0x98];
	[tilespmem:s20+$0x70] =	vst v5  }
0x66: {  	s3 =	simm.s32 $0x0;
	s8 =	simm.s32 $0x1730;
	v42 =	vperm.xlane v25, v9;
	v1 =	vperm.xlane v57, v41;
	v41 =	vld [tilespmem:s20+$0xE8];
	[tilespmem:s20+$0xFFFFFF60] =	vst v6  }
.LBB2_3:
0x67: {  	v10 =	vld [tilespmem:$0x1FFF0];
	_ =	sdelay $0x4  }
0x68: {  	v7 =	vld [tilespmem:s8+$0x100];
	v8 =	vimm.s32 $0xE;
	s0 =	sadd.s32 $0x40, s0;
	v13 =	vmul.f32 v13, v61;
	v6 =	vperm.xlane v6, v10  }
0x69: {  	v25 =	vperm.xlane v25, v8;
	v8 =	vld [tilespmem:s0+$0x10];
	v60 =	vperm.xlane v60, v10  }
0x6a: {  	v9 =	vld [tilespmem:s0+$0xFFFFFFE0];
	v5 =	vperm.xlane v5, v10;
	[tilespmem:s20+$0xFFFFFEF0] =	vst v13;
	v6 =	vsel vm0, v6, v57  }
0x6b: {  	v61 =	vld [tilespmem:s8+$0xFFFFFFF0];
	[tilespmem:s20+$0xFFFFFF68] =	vst v6;
	v6 =	vsel vm0, v60, v46  }
0x6c: {  	v14 =	vmul.f32 v14, v63;
	v0 =	vmul.f32 v15, v0;
	v15 =	vld [tilespmem:s0+$0xFFFFFFF0];
	v5 =	vsel vm0, v5, v47;
	[tilespmem:s20+$0xFFFFFFF0] =	vst v6  }
0x6d: {  	v4 =	vmul.f32 v17, v4;
	v2 =	vmul.f32 v16, v2;
	v6 =	vld [tilespmem:s8+$0x78];
	[tilespmem:s20+$0x78] =	vst v5  }
0x6e: {  	v3 =	vmul.f32 v18, v3;
	v1 =	vmul.f32 v19, v1;
	v7 =	vadd.f32 v8, v7;
	[tilespmem:s20+$0xFFFFFF00] =	vst v14;
	v5 =	vld [tilespmem:s0+$0x0]  }
0x6f: {  	v16 =	vmul.f32 v20, v44;
	v18 =	vmul.f32 v22, v62;
	[tilespmem:s20+$0xFFFFFF10] =	vst v0;
	v17 =	vld [tilespmem:s8+$0xFFFFFF68]  }
0x70: {  	v19 =	vmul.f32 v23, v58;
	[tilespmem:s20+$0xFFFFFF20] =	vst v4;
	v13 =	vmul.f32 $2.000000030e-01, v7;
	v58 =	vld [tilespmem:s8+$0xFFFFFF60]  }
0x71: {  	v38 =	vmul.f32 v38, v43;
	v8 =	vmul.f32 v21, v45;
	[tilespmem:s20+$0xFFFFFF78] =	vst v16;
	v21 =	vadd.f32 v15, v61;
	v63 =	vld [tilespmem:s8+$0xFFFFFFE8]  }
0x72: {  	v40 =	vmul.f32 v40, v42;
	v22 =	vmul.f32 v28, v54;
	[tilespmem:s20+$0xFFFFFF98] =	vst v18;
	v54 =	vld [tilespmem:s8+$0x70];
	v7 =	vmax.f32 v7, v13  }
0x73: {  	[tilespmem:s20+$0xFFFFFF30] =	vst v2;
	v13 =	vld [tilespmem:s8+$0xFFFFFEF0];
	v23 =	vmul.f32 $2.000000030e-01, v21;
	v5 =	vadd.f32 v5, v6;
	v6 =	vmul.f32 $1.442695020e+00, v7  }
0x74: {  	v20 =	vmul.f32 v24, v59;
	v24 =	vmul.f32 v36, v52;
	[tilespmem:s20+$0xFFFFFF40] =	vst v3;
	v14 =	vld [tilespmem:s8+$0xFFFFFF00]  }
0x75: {  	[tilespmem:s20+$0xFFFFFF50] =	vst v1;
	v15 =	vld [tilespmem:s8+$0xFFFFFF10];
	v3 =	vadd.f32 v9, v17;
	v9 =	vmax.f32 v21, v23;
	(erf) = vpow2.f32 v6  }
0x76: {  	[tilespmem:s20+$0xFFFFFFA8] =	vst v19;
	v16 =	vld [tilespmem:s8+$0xFFFFFF30];
	v9 =	vmul.f32 $1.442695020e+00, v9;
	v21 =	vmul.f32 $2.000000030e-01, v5  }
0x77: {  	v4 =	vmul.f32 v27, v55;
	[tilespmem:s20+$0xFFFFFF88] =	vst v8;
	v18 =	vld [tilespmem:s8+$0xFFFFFF40];
	v6 =	vmul.f32 $2.000000030e-01, v3  }
0x78: {  	v0 =	vmul.f32 v26, v56;
	v19 =	vld [tilespmem:s8+$0xFFFFFF50];
	[tilespmem:s20+$0xFFFFFFB8] =	vst v20;
	(erf) = vpow2.f32 v9;
	v5 =	vmax.f32 v5, v21  }
0x79: {  	v41 =	vmul.f32 v41, v25;
	[tilespmem:s20+$0xFFFFFFD8] =	vst v4;
	v4 =	vld [tilespmem:$0x1FFE0];
	v3 =	vmax.f32 v3, v6;
	v5 =	vmul.f32 $1.442695020e+00, v5  }
0x7a: {  	v8 =	vmul.f32 v30, v49;
	v20 =	vld [tilespmem:s8+$0xFFFFFF78];
	[tilespmem:s20+$0xFFFFFFC8] =	vst v0;
	v3 =	vmul.f32 $1.442695020e+00, v3  }
0x7b: {  	v2 =	vmul.f32 v29, v53;
	[tilespmem:s20+$0x0] =	vst v22;
	v22 =	vld [tilespmem:s8+$0xFFFFFF98];
	(erf) = vpow2.f32 v5  }
0x7c: {  	v1 =	vmul.f32 v34, v51;
	(erf) = vpow2.f32 v3;
	v3 =	vld [tilespmem:$0x1FFD0]  }
0x7d: {  	v43 =	vimm.s32 $0x9;
	v29 =	vmul.f32 v37, v48;
	v0 =	vmul.f32 v32, v12;
	[tilespmem:s20+$0x20] =	vst v24;
	v24 =	vld [tilespmem:s8+$0xFFFFFFB8]  }
0x7e: {  	v42 =	vimm.s32 $0x8;
	[tilespmem:s20+$0x10] =	vst v2;
	v26 =	vld [tilespmem:s8+$0xFFFFFFC8];
	v7 =	vmul.f32 v39, v50;
	v35 =	vmul.f32 v35, v4;
	v25 =	vpop (erf)  }
0x7f: {  	[tilespmem:s20+$0x30] =	vst v1;
	v27 =	vld [tilespmem:s8+$0xFFFFFFD8];
	v4 =	vimm.s32 $0xF;
	v6 =	vmul.f32 v31, v11;
	v11 =	vperm.xlane v25, v42  }
0x80: {  	v48 =	vimm.s32 $0xA;
	[tilespmem:s20+$0x50] =	vst v8;
	v28 =	vld [tilespmem:s8+$0x0];
	v2 =	vperm.xlane v25, v4;
	v12 =	vperm.xlane v25, v43  }
0x81: {  	v49 =	vimm.s32 $0xB;
	[tilespmem:s20+$0x60] =	vst v29;
	v1 =	vperm.xlane v25, v48;
	v46 =	vpop (erf);
	v9 =	vmul.f32 v33, v3;
	v3 =	vld [tilespmem:s8+$0xF8]  }
0x82: {  	v8 =	vimm.s32 $0xC;
	[tilespmem:s20+$0x98] =	vst v0;
	v17 =	vld [tilespmem:s8+$0xFFFFFF20];
	v44 =	vperm.xlane v46, v42;
	v45 =	vperm.xlane v46, v43  }
0x83: {  	v23 =	vld [tilespmem:s8+$0xFFFFFFA8];
	[tilespmem:s20+$0x40] =	vst v7;
	v7 =	vimm.s32 $0xD;
	v62 =	vperm.xlane v46, v48;
	v59 =	vperm.xlane v46, v8  }
0x84: {  	v29 =	vld [tilespmem:s8+$0x10];
	v56 =	vperm.xlane v46, v7;
	[tilespmem:$0x1FFD0] =	vst v1;
	v1 =	vperm.xlane v25, v49;
	v47 =	vpop (erf)  }
0x85: {  	v36 =	vld [tilespmem:s8+$0x20];
	[tilespmem:s20+$0x88] =	vst v6;
	v53 =	vperm.xlane v47, v43;
	v52 =	vperm.xlane v47, v48  }
0x86: {  	v34 =	vld [tilespmem:s8+$0x30];
	[tilespmem:$0x1FFE0] =	vst v1;
	v51 =	vperm.xlane v47, v49;
	v1 =	vmul.f32 v3, v2  }
0x87: {  	v31 =	vld [tilespmem:s8+$0x88];
	v57 =	vpop (erf);
	v50 =	vperm.xlane v47, v8;
	v2 =	vperm.xlane v46, v4  }
0x88: {  	v32 =	vld [tilespmem:s8+$0x98];
	[tilespmem:s20+$0xA8] =	vst v9;
	v61 =	vperm.xlane v57, v42;
	v3 =	vperm.xlane v1, v10  }
0x89: {  	v33 =	vld [tilespmem:s8+$0xA8];
	[tilespmem:s20+$0xB8] =	vst v35;
	v60 =	vmul.f32 v63, v2;
	v2 =	vperm.xlane v47, v4  }
0x8a: {  	v39 =	vld [tilespmem:s8+$0x40];
	v4 =	vperm.xlane v57, v4;
	[tilespmem:s8+$0xF8] =	vst v1;
	v63 =	vperm.xlane v57, v43;
	v10 =	vimm.s32 $0xE  }
0x8b: {  	s3 =	sadd.s32 $0x4, s3;
	v30 =	vld [tilespmem:s8+$0x50];
	v43 =	vperm.xlane v25, v8;
	v0 =	vsel vm0, v3, v25;
	v5 =	vmul.f32 v54, v2;
	[tilespmem:s8+$0xFFFFFFE8] =	vst v60  }
0x8c: {  	p0 =	slt.u32 s3, $0x7C;
	v37 =	vld [tilespmem:s8+$0x60];
	v1 =	vperm.xlane v57, v10;
	v55 =	vperm.xlane v46, v10;
	[tilespmem:s8+$0x100] =	vst v0  }
.Ltmp4:
0x8d: {  	v21 =	vld [tilespmem:s8+$0xFFFFFF88];
	v6 =	vmul.f32 v58, v4;
	v4 =	vperm.xlane v57, v49;
	[tilespmem:s8+$0x70] =	vst v5;
	(pc) =	sbr.rel @p0 .LBB2_3-.Ltmp4, $4  }
0x8e: {  	v35 =	vld [tilespmem:s8+$0xB8];
	v2 =	vperm.xlane v57, v8;
	v3 =	vperm.xlane v57, v7;
	[tilespmem:s20+$0xC8] =	vst v38  }
0x8f: {  	v58 =	vperm.xlane v46, v49;
	v54 =	vperm.xlane v47, v42;
	v38 =	vld [tilespmem:s8+$0xC8];
	[tilespmem:s20+$0xD8] =	vst v40  }
0x90: {  	v9 =	vimm.s32 $0xE;
	v49 =	vperm.xlane v47, v7;
	v42 =	vperm.xlane v25, v7;
	v40 =	vld [tilespmem:s8+$0xD8];
	[tilespmem:s20+$0xE8] =	vst v41  }
0x91: {  	v0 =	vperm.xlane v57, v48;
	v48 =	vperm.xlane v47, v9;
	[tilespmem:s8+$0xFFFFFF60] =	vst v6;
	s20 =	smov.u32 s8;
	v41 =	vld [tilespmem:s8+$0xE8];
	s8 =	sadd.s32 $0x220, s8  }
0x92: {  	v4 =	vmul.f32 v17, v4  }
0x93: {  	v2 =	vmul.f32 v16, v2  }
0x94: {  	v8 =	vld [tilespmem:$0x1FFF0];
	v1 =	vmul.f32 v19, v1;
	[tilespmem:s20+$0xFFFFFF20] =	vst v4  }
0x95: {  	v0 =	vmul.f32 v15, v0;
	[tilespmem:s20+$0xFFFFFF30] =	vst v2  }
0x96: {  	v2 =	vmul.f32 v20, v44;
	[tilespmem:s20+$0xFFFFFF50] =	vst v1  }
0x97: {  	v1 =	vmul.f32 v22, v62;
	[tilespmem:s20+$0xFFFFFF10] =	vst v0  }
0x98: {  	v0 =	vmul.f32 v18, v3;
	[tilespmem:s20+$0xFFFFFF78] =	vst v2  }
0x99: {  	v2 =	vmul.f32 v23, v58;
	[tilespmem:s20+$0xFFFFFF98] =	vst v1  }
0x9a: {  	v1 =	vmul.f32 v26, v56;
	[tilespmem:s20+$0xFFFFFF40] =	vst v0  }
0x9b: {  	v6 =	vperm.xlane v6, v8;
	v0 =	vmul.f32 v21, v45;
	[tilespmem:s20+$0xFFFFFFA8] =	vst v2  }
0x9c: {  	v5 =	vperm.xlane v5, v8;
	[tilespmem:s20+$0xFFFFFFC8] =	vst v1  }
0x9d: {  	v6 =	vsel vm0, v6, v57;
	[tilespmem:s20+$0xFFFFFF88] =	vst v0  }
0x9e: {  	v2 =	vmul.f32 v27, v55;
	v5 =	vsel vm0, v5, v47;
	[tilespmem:s20+$0xFFFFFF68] =	vst v6  }
0x9f: {  	v7 =	vperm.xlane v60, v8;
	v1 =	vmul.f32 v29, v53;
	[tilespmem:s20+$0x78] =	vst v5  }
0xa0: {  	[tilespmem:s20+$0xFFFFFFD8] =	vst v2  }
0xa1: {  	v0 =	vmul.f32 v24, v59;
	v6 =	vsel vm0, v7, v46;
	[tilespmem:s20+$0x10] =	vst v1  }
0xa2: {  	v7 =	vmul.f32 v13, v61;
	[tilespmem:s20+$0xFFFFFFF0] =	vst v6  }
0xa3: {  	v2 =	vmul.f32 v36, v52;
	[tilespmem:s20+$0xFFFFFFB8] =	vst v0  }
0xa4: {  	v1 =	vmul.f32 v39, v50;
	[tilespmem:s20+$0xFFFFFEF0] =	vst v7  }
0xa5: {  	v0 =	vmul.f32 v28, v54;
	[tilespmem:s20+$0x20] =	vst v2  }
0xa6: {  	v6 =	vmul.f32 v14, v63;
	[tilespmem:s20+$0x40] =	vst v1  }
0xa7: {  	[tilespmem:s20+$0x0] =	vst v0;
	v0 =	vmul.f32 v34, v51  }
0xa8: {  	v2 =	vmul.f32 v30, v49;
	[tilespmem:s20+$0xFFFFFF00] =	vst v6  }
0xa9: {  	[tilespmem:s20+$0x30] =	vst v0;
	v0 =	vmul.f32 v37, v48  }
0xaa: {  	v1 =	vmul.f32 v31, v11;
	[tilespmem:s20+$0x50] =	vst v2  }
0xab: {  	[tilespmem:s20+$0x60] =	vst v0  }
0xac: {  	v0 =	vld [tilespmem:$0x1FFD0];
	[tilespmem:s20+$0x88] =	vst v1  }
0xad: {  	s0 =	smul.u32 $0x19A, s30;
	v1 =	vld [tilespmem:$0x1FFE0];
	_ =	sdelay $0x1  }
0xae: {  	s0 =	sshrl.u32 s0, $0xC;
	v2 =	vmul.f32 v32, v12  }
0xaf: {  	s0 =	sand.u32 $0xF, s0;
	v3 =	vmul.f32 v38, v43  }
0xb0: {  	s0 =	smul.u32 $0x14, s0;
	v45 =	vimm.s32 $0xE;
	[tilespmem:s20+$0x98] =	vst v2;
	v0 =	vmul.f32 v33, v0  }
0xb1: {  	s31 =	sshll.u32 s30, $0x1;
	v2 =	vperm.xlane v25, v45;
	[tilespmem:s20+$0xC8] =	vst v3;
	v1 =	vmul.f32 v35, v1  }
0xb2: {  	s0 =	ssub.s32 s31, s0;
	[tilespmem:s20+$0xA8] =	vst v0;
	v0 =	vmul.f32 v40, v42  }
0xb3: {  	s8 =	sand.u32 $0xFE, s0;
	[tilespmem:s20+$0xB8] =	vst v1;
	v1 =	vmul.f32 v41, v2  }
0xb4: {  	s3 =	sshll.u32 s8, $0x7;
	[tilespmem:s20+$0xD8] =	vst v0  }
0xb5: {  	s10 =	sadd.s32 $0xA00, s3;
	[tilespmem:s20+$0xE8] =	vst v1  }
0xb6: {  	[spmem:s2] =	stream.indirect.scatter.add.f32 [tilespmem:s17], [sflag:$0x5], $0x88, s10, s16, $0xb8;
	[tilespmem:$0x1FBC0] =	vst v63  }
0xb7: {  	p0 =	sgt.u32 s8, $0x11;
	_ =	swait.ge [sflag:s14], $0x4400  }
0xb8: {  	s8 =	sshll.u32 @!p0 s8, $0x7;
	s11 =	simm.s32 @!p0 $0x80;
	[sflag:s14] =	ssyncset.done $0x0  }
0xb9: {  	s20 =	simm.s32 @!p0 $0x1400;
	s10 =	sadd.s32 @!p0 $0x100, s8;
	[sflag:s14] =	ssyncadd.s32 $0xFFFFBC00  }
0xba: {  	[tilespmem:s20], [sflag:$0x1] =	stream.indirect.gather @!p0 [hbm4b:s5+s11], $0x88, s10, s11, $0xb8;
	[tilespmem:$0x1FBC0] =	vst v63  }
0xbb: {  	s8 =	sadd.s32 @!p0 $0xB00, s8;
	s10 =	simm.s32 @!p0 $0x5800  }
0xbc: {  	[tilespmem:s10], [sflag:$0x2] =	stream.indirect.gather @!p0 [hbm4b:s6+s11], $0x10, s8, s11, $0xb8;
	[tilespmem:$0x1FBC0] =	vst v63  }
0xbd: {  	_ =	swait.ge [sflag:s26], $0x4400  }
0xbe: {  	[sflag:s26] =	ssyncset.done $0x0  }
0xbf: {  	[sflag:s26] =	ssyncadd.s32 $0xFFFFBC00  }
0xc0: {  	_ =	swait.ge [sflag:s28], $0x800  }
0xc1: {  	[sflag:s28] =	ssyncset.done $0x0  }
0xc2: {  	s20 =	simm.s32 $0x6110;
	[sflag:s28] =	ssyncadd.s32 $0xFFFFF800  }
0xc3: {  	s8 =	simm.s32 $0xA420;
	v0 =	vld [tilespmem:s20+$0x100]  }
0xc4: {  	v1 =	vld [tilespmem:s8+$0x10];
	_ =	sdelay $0x2  }
0xc5: {  	v3 =	vld [tilespmem:s20+$0xFFFFFFF0]  }
0xc6: {  	v4 =	vld [tilespmem:s8+$0xFFFFFFF0]  }
0xc7: {  	v2 =	vld [tilespmem:s8+$0xFFFFFFE0];
	v0 =	vadd.f32 v1, v0  }
0xc8: {  	v5 =	vld [tilespmem:s20+$0x78]  }
0xc9: {  	v6 =	vld [tilespmem:s8+$0x0];
	v7 =	vmul.f32 $2.000000030e-01, v0  }
0xca: {  	v1 =	vld [tilespmem:s20+$0xFFFFFF68]  }
0xcb: {  	v10 =	vld [tilespmem:s20+$0xFFFFFF60];
	v3 =	vadd.f32 v4, v3;
	v0 =	vmax.f32 v0, v7  }
0xcc: {  	v13 =	vld [tilespmem:s20+$0xFFFFFEF0];
	v0 =	vmul.f32 $1.442695020e+00, v0  }
0xcd: {  	v14 =	vld [tilespmem:s20+$0xFFFFFF00];
	v9 =	vmul.f32 $2.000000030e-01, v3  }
0xce: {  	v15 =	vld [tilespmem:s20+$0xFFFFFF10];
	(erf) = vpow2.f32 v0  }
0xcf: {  	v17 =	vld [tilespmem:s20+$0xFFFFFF20];
	v1 =	vadd.f32 v2, v1;
	v2 =	vmax.f32 v3, v9  }
0xd0: {  	v16 =	vld [tilespmem:s20+$0xFFFFFF30];
	v5 =	vadd.f32 v6, v5;
	v2 =	vmul.f32 $1.442695020e+00, v2  }
0xd1: {  	v18 =	vld [tilespmem:s20+$0xFFFFFF40]  }
0xd2: {  	v19 =	vld [tilespmem:s20+$0xFFFFFF50];
	v3 =	vmul.f32 $2.000000030e-01, v5;
	(erf) = vpow2.f32 v2  }
0xd3: {  	v20 =	vld [tilespmem:s20+$0xFFFFFF78];
	v0 =	vmul.f32 $2.000000030e-01, v1  }
0xd4: {  	v21 =	vld [tilespmem:s20+$0xFFFFFF88];
	v3 =	vmax.f32 v5, v3  }
0xd5: {  	v22 =	vld [tilespmem:s20+$0xFFFFFF98];
	v0 =	vmax.f32 v1, v0;
	v1 =	vmul.f32 $1.442695020e+00, v3  }
0xd6: {  	v23 =	vld [tilespmem:s20+$0xFFFFFFA8]  }
0xd7: {  	v49 =	vimm.s32 $0xA;
	v24 =	vld [tilespmem:s20+$0xFFFFFFB8];
	v0 =	vmul.f32 $1.442695020e+00, v0;
	(erf) = vpow2.f32 v1;
	v27 =	vpop (erf)  }
0xd8: {  	v4 =	vld [tilespmem:s20+$0xFFFFFFE8];
	v2 =	vperm.xlane v27, v49  }
0xd9: {  	v50 =	vimm.s32 $0xB;
	(erf) = vpow2.f32 v0;
	v0 =	vld [tilespmem:s20+$0xF8]  }
0xda: {  	v7 =	vld [tilespmem:s20+$0x70];
	v9 =	vimm.s32 $0x8;
	v3 =	vimm.s32 $0xF;
	[tilespmem:$0x1FFB0] =	vst v2;
	v2 =	vperm.xlane v27, v50  }
0xdb: {  	v48 =	vimm.s32 $0x9;
	v11 =	vperm.xlane v27, v9;
	v1 =	vperm.xlane v27, v3;
	v46 =	vpop (erf)  }
0xdc: {  	v12 =	vperm.xlane v27, v48;
	v43 =	vperm.xlane v46, v9;
	v25 =	vld [tilespmem:s20+$0xFFFFFFC8];
	[tilespmem:$0x1FFC0] =	vst v2  }
0xdd: {  	v44 =	vperm.xlane v46, v48;
	v62 =	vperm.xlane v46, v49;
	v26 =	vld [tilespmem:s20+$0xFFFFFFD8]  }
0xde: {  	v1 =	vmul.f32 v0, v1;
	v0 =	vperm.xlane v46, v3;
	v28 =	vld [tilespmem:s20+$0x0]  }
0xdf: {  	v58 =	vperm.xlane v46, v50;
	v55 =	vperm.xlane v46, v45;
	v29 =	vld [tilespmem:s20+$0x10]  }
0xe0: {  	v47 =	vpop (erf);
	v2 =	vperm.xlane v1, v8;
	v60 =	vmul.f32 v4, v0;
	v35 =	vld [tilespmem:s20+$0x20]  }
0xe1: {  	v0 =	vperm.xlane v47, v3;
	v54 =	vperm.xlane v47, v9;
	v31 =	vld [tilespmem:s20+$0x30]  }
0xe2: {  	v57 =	vpop (erf);
	v53 =	vperm.xlane v47, v48;
	v52 =	vperm.xlane v47, v49;
	v38 =	vld [tilespmem:s20+$0x40]  }
0xe3: {  	v51 =	vperm.xlane v47, v50;
	v61 =	vperm.xlane v57, v9;
	v30 =	vld [tilespmem:s20+$0x50]  }
0xe4: {  	v8 =	vimm.s32 $0xC;
	v3 =	vperm.xlane v57, v3;
	v63 =	vperm.xlane v57, v48;
	v37 =	vld [tilespmem:s20+$0x60]  }
0xe5: {  	v4 =	vperm.xlane v57, v50;
	v32 =	vld [tilespmem:s20+$0x88];
	v59 =	vperm.xlane v46, v8  }
0xe6: {  	v33 =	vld [tilespmem:s20+$0x98];
	v50 =	vperm.xlane v47, v8;
	v48 =	vperm.xlane v47, v45  }
0xe7: {  	[tilespmem:s20+$0xF8] =	vst v1;
	v34 =	vld [tilespmem:s20+$0xA8];
	v5 =	vmul.f32 v7, v0;
	v0 =	vperm.xlane v57, v49;
	v1 =	vsel vm0, v2, v27  }
0xe8: {  	v36 =	vld [tilespmem:s20+$0xB8];
	v2 =	vperm.xlane v57, v8;
	v7 =	vimm.s32 $0xD;
	[tilespmem:s20+$0xFFFFFFE8] =	vst v60;
	v6 =	vmul.f32 v10, v3  }
0xe9: {  	v39 =	vld [tilespmem:s20+$0xC8];
	[tilespmem:s20+$0x100] =	vst v1;
	v3 =	vperm.xlane v57, v7;
	v1 =	vperm.xlane v57, v45  }
0xea: {  	v40 =	vld [tilespmem:s20+$0xD8];
	v56 =	vperm.xlane v46, v7;
	v49 =	vperm.xlane v47, v7;
	[tilespmem:s20+$0x70] =	vst v5  }
0xeb: {  	s10 =	simm.s32 $0x0;
	s11 =	simm.s32 $0x6330;
	v41 =	vld [tilespmem:s20+$0xE8];
	v45 =	vperm.xlane v27, v8;
	v42 =	vperm.xlane v27, v7;
	[tilespmem:s20+$0xFFFFFF60] =	vst v6  }
.LBB2_5:
0xec: {  	v10 =	vld [tilespmem:$0x1FFF0]  }
0xed: {  	v0 =	vmul.f32 v15, v0  }
0xee: {  	v2 =	vmul.f32 v16, v2;
	v16 =	vmul.f32 v20, v43  }
0xef: {  	s8 =	sadd.s32 $0x40, s8;
	v3 =	vmul.f32 v18, v3;
	v18 =	vmul.f32 v21, v44  }
0xf0: {  	v15 =	vld [tilespmem:s8+$0xFFFFFFF0];
	v1 =	vmul.f32 v19, v1;
	v19 =	vmul.f32 v22, v62;
	[tilespmem:s20+$0xFFFFFF78] =	vst v16  }
0xf1: {  	v7 =	vld [tilespmem:s11+$0x100];
	v8 =	vimm.s32 $0xE;
	v20 =	vmul.f32 v23, v58;
	v6 =	vperm.xlane v6, v10;
	[tilespmem:s20+$0xFFFFFF88] =	vst v18  }
0xf2: {  	v8 =	vperm.xlane v27, v8;
	v27 =	vld [tilespmem:s8+$0x10];
	v60 =	vperm.xlane v60, v10;
	[tilespmem:s20+$0xFFFFFF98] =	vst v19  }
0xf3: {  	v9 =	vld [tilespmem:s8+$0xFFFFFFE0];
	v5 =	vperm.xlane v5, v10;
	[tilespmem:s20+$0xFFFFFFA8] =	vst v20;
	v6 =	vsel vm0, v6, v57  }
0xf4: {  	v13 =	vmul.f32 v13, v61;
	v61 =	vld [tilespmem:s11+$0xFFFFFFF0];
	[tilespmem:s20+$0xFFFFFF68] =	vst v6;
	v6 =	vsel vm0, v60, v46  }
0xf5: {  	v5 =	vsel vm0, v5, v47;
	v20 =	vld [tilespmem:s11+$0xFFFFFF78];
	[tilespmem:s20+$0xFFFFFFF0] =	vst v6  }
0xf6: {  	v6 =	vld [tilespmem:s11+$0x78];
	[tilespmem:s20+$0x78] =	vst v5  }
0xf7: {  	v14 =	vmul.f32 v14, v63;
	v7 =	vadd.f32 v27, v7;
	v5 =	vld [tilespmem:s8+$0x0]  }
0xf8: {  	v4 =	vmul.f32 v17, v4;
	[tilespmem:s20+$0xFFFFFEF0] =	vst v13;
	v17 =	vld [tilespmem:s11+$0xFFFFFF68]  }
0xf9: {  	[tilespmem:s20+$0xFFFFFF00] =	vst v14;
	v13 =	vmul.f32 $2.000000030e-01, v7;
	v58 =	vld [tilespmem:s11+$0xFFFFFF60]  }
0xfa: {  	v39 =	vmul.f32 v39, v45;
	[tilespmem:s20+$0xFFFFFF10] =	vst v0;
	v22 =	vadd.f32 v15, v61;
	v63 =	vld [tilespmem:s11+$0xFFFFFFE8]  }
0xfb: {  	v23 =	vmul.f32 v28, v54;
	v0 =	vmul.f32 v25, v56;
	[tilespmem:s20+$0xFFFFFF20] =	vst v4;
	v54 =	vld [tilespmem:s11+$0x70];
	v7 =	vmax.f32 v7, v13  }
0xfc: {  	[tilespmem:s20+$0xFFFFFF30] =	vst v2;
	v13 =	vld [tilespmem:s11+$0xFFFFFEF0];
	v25 =	vmul.f32 $2.000000030e-01, v22;
	v5 =	vadd.f32 v5, v6;
	v6 =	vmul.f32 $1.442695020e+00, v7  }
0xfd: {  	v40 =	vmul.f32 v40, v42;
	v21 =	vmul.f32 v24, v59;
	[tilespmem:s20+$0xFFFFFF40] =	vst v3;
	v14 =	vld [tilespmem:s11+$0xFFFFFF00]  }
0xfe: {  	[tilespmem:s20+$0xFFFFFF50] =	vst v1;
	v15 =	vld [tilespmem:s11+$0xFFFFFF10];
	v3 =	vadd.f32 v9, v17;
	v9 =	vmax.f32 v22, v25;
	(erf) = vpow2.f32 v6  }
0xff: {  	v16 =	vld [tilespmem:s11+$0xFFFFFF30];
	v9 =	vmul.f32 $1.442695020e+00, v9;
	v22 =	vmul.f32 $2.000000030e-01, v5  }
0x100: {  	v4 =	vmul.f32 v26, v55;
	v18 =	vld [tilespmem:s11+$0xFFFFFF40];
	[tilespmem:s20+$0xFFFFFFB8] =	vst v21;
	v6 =	vmul.f32 $2.000000030e-01, v3  }
0x101: {  	v24 =	vmul.f32 v35, v52;
	v19 =	vld [tilespmem:s11+$0xFFFFFF50];
	[tilespmem:s20+$0xFFFFFFC8] =	vst v0;
	(erf) = vpow2.f32 v9;
	v5 =	vmax.f32 v5, v22  }
0x102: {  	v28 =	vmul.f32 v30, v49;
	[tilespmem:s20+$0xFFFFFFD8] =	vst v4;
	v4 =	vld [tilespmem:$0x1FFC0];
	v3 =	vmax.f32 v3, v6;
	v5 =	vmul.f32 $1.442695020e+00, v5  }
0x103: {  	v8 =	vmul.f32 v41, v8;
	[tilespmem:s20+$0x0] =	vst v23;
	v21 =	vld [tilespmem:s11+$0xFFFFFF88];
	v3 =	vmul.f32 $1.442695020e+00, v3  }
0x104: {  	v2 =	vmul.f32 v29, v53;
	[tilespmem:s20+$0x20] =	vst v24;
	v23 =	vld [tilespmem:s11+$0xFFFFFFA8];
	(erf) = vpow2.f32 v5  }
0x105: {  	v1 =	vmul.f32 v31, v51;
	[tilespmem:s20+$0x50] =	vst v28;
	(erf) = vpow2.f32 v3;
	v3 =	vld [tilespmem:$0x1FFB0]  }
0x106: {  	v42 =	vimm.s32 $0x9;
	v29 =	vmul.f32 v37, v48;
	v0 =	vmul.f32 v33, v12;
	[tilespmem:s20+$0x10] =	vst v2;
	v24 =	vld [tilespmem:s11+$0xFFFFFFB8]  }
0x107: {  	v41 =	vimm.s32 $0x8;
	[tilespmem:s20+$0x30] =	vst v1;
	v26 =	vld [tilespmem:s11+$0xFFFFFFD8];
	v7 =	vmul.f32 v38, v50;
	v36 =	vmul.f32 v36, v4;
	v27 =	vpop (erf)  }
0x108: {  	v28 =	vld [tilespmem:s11+$0x0];
	[tilespmem:$0x1FFA0] =	vst v13;
	v4 =	vimm.s32 $0xF;
	v6 =	vmul.f32 v32, v11;
	v13 =	vperm.xlane v27, v41  }
0x109: {  	v45 =	vimm.s32 $0xA;
	v17 =	vld [tilespmem:s11+$0xFFFFFF20];
	v2 =	vperm.xlane v27, v4;
	v12 =	vperm.xlane v27, v42  }
0x10a: {  	v48 =	vimm.s32 $0xB;
	[tilespmem:s20+$0x60] =	vst v29;
	v1 =	vperm.xlane v27, v45;
	v46 =	vpop (erf);
	v9 =	vmul.f32 v34, v3;
	v3 =	vld [tilespmem:s11+$0xF8]  }
0x10b: {  	v25 =	vld [tilespmem:s11+$0xFFFFFFC8];
	[tilespmem:s20+$0x40] =	vst v7;
	v7 =	vimm.s32 $0xD;
	v43 =	vperm.xlane v46, v41;
	v44 =	vperm.xlane v46, v42  }
0x10c: {  	v53 =	vimm.s32 $0xE;
	[tilespmem:s20+$0x98] =	vst v0;
	v29 =	vld [tilespmem:s11+$0x10];
	v62 =	vperm.xlane v46, v45;
	v56 =	vperm.xlane v46, v7  }
0x10d: {  	v35 =	vld [tilespmem:s11+$0x20];
	v55 =	vperm.xlane v46, v53;
	[tilespmem:$0x1FFB0] =	vst v1;
	v1 =	vperm.xlane v27, v48;
	v47 =	vpop (erf)  }
0x10e: {  	v31 =	vld [tilespmem:s11+$0x30];
	[tilespmem:s20+$0x88] =	vst v6;
	v52 =	vperm.xlane v47, v45;
	v51 =	vperm.xlane v47, v48  }
0x10f: {  	v38 =	vld [tilespmem:s11+$0x40];
	[tilespmem:$0x1FFC0] =	vst v1;
	v57 =	vpop (erf);
	v1 =	vmul.f32 v3, v2;
	v2 =	vperm.xlane v46, v4  }
0x110: {  	v32 =	vld [tilespmem:s11+$0x88];
	v49 =	vperm.xlane v47, v7;
	v61 =	vperm.xlane v57, v41  }
0x111: {  	v33 =	vld [tilespmem:s11+$0x98];
	[tilespmem:s20+$0xA8] =	vst v9;
	v3 =	vperm.xlane v1, v10;
	v60 =	vmul.f32 v63, v2  }
0x112: {  	v11 =	vimm.s32 $0xE;
	v34 =	vld [tilespmem:s11+$0xA8];
	[tilespmem:s20+$0xB8] =	vst v36;
	v2 =	vperm.xlane v47, v4;
	v4 =	vperm.xlane v57, v4  }
0x113: {  	v30 =	vld [tilespmem:s11+$0x50];
	[tilespmem:s11+$0xF8] =	vst v1;
	v63 =	vperm.xlane v57, v42;
	v10 =	vimm.s32 $0xC;
	v1 =	vperm.xlane v57, v53  }
0x114: {  	s10 =	sadd.s32 $0x4, s10;
	v37 =	vld [tilespmem:s11+$0x60];
	v53 =	vperm.xlane v47, v42;
	v0 =	vsel vm0, v3, v27;
	v5 =	vmul.f32 v54, v2;
	[tilespmem:s11+$0xFFFFFFE8] =	vst v60  }
0x115: {  	p0 =	slt.u32 s10, $0x7C;
	v22 =	vld [tilespmem:s11+$0xFFFFFF98];
	v42 =	vperm.xlane v27, v7;
	v59 =	vperm.xlane v46, v10;
	[tilespmem:s11+$0x100] =	vst v0  }
.Ltmp5:
0x116: {  	v36 =	vld [tilespmem:s11+$0xB8];
	v6 =	vmul.f32 v58, v4;
	v4 =	vperm.xlane v57, v48;
	[tilespmem:s11+$0x70] =	vst v5;
	(pc) =	sbr.rel @p0 .LBB2_5-.Ltmp5, $4  }
0x117: {  	v58 =	vperm.xlane v46, v48;
	v48 =	vperm.xlane v47, v11;
	v11 =	vmov v13;
	v13 =	vld [tilespmem:$0x1FFA0];
	[tilespmem:s20+$0xC8] =	vst v39  }
0x118: {  	v50 =	vperm.xlane v47, v10;
	v2 =	vperm.xlane v57, v10;
	v39 =	vld [tilespmem:s11+$0xC8];
	[tilespmem:s20+$0xD8] =	vst v40  }
0x119: {  	v3 =	vperm.xlane v57, v7;
	v54 =	vperm.xlane v47, v41;
	v40 =	vld [tilespmem:s11+$0xD8];
	[tilespmem:s20+$0xE8] =	vst v8  }
0x11a: {  	v9 =	vimm.s32 $0xE;
	v0 =	vperm.xlane v57, v45;
	v45 =	vperm.xlane v27, v10;
	[tilespmem:s11+$0xFFFFFF60] =	vst v6;
	s20 =	smov.u32 s11;
	v41 =	vld [tilespmem:s11+$0xE8];
	s11 =	sadd.s32 $0x220, s11  }
0x11b: {  	v14 =	vmul.f32 v14, v63  }
0x11c: {  	v4 =	vmul.f32 v17, v4  }
0x11d: {  	v8 =	vld [tilespmem:$0x1FFF0];
	v2 =	vmul.f32 v16, v2;
	[tilespmem:s20+$0xFFFFFF00] =	vst v14  }
0x11e: {  	v18 =	vmul.f32 v18, v3;
	[tilespmem:s20+$0xFFFFFF20] =	vst v4  }
0x11f: {  	v1 =	vmul.f32 v19, v1;
	[tilespmem:s20+$0xFFFFFF30] =	vst v2  }
0x120: {  	v20 =	vmul.f32 v20, v43;
	[tilespmem:s20+$0xFFFFFF40] =	vst v18  }
0x121: {  	v21 =	vmul.f32 v21, v44;
	[tilespmem:s20+$0xFFFFFF50] =	vst v1  }
0x122: {  	v22 =	vmul.f32 v22, v62;
	[tilespmem:s20+$0xFFFFFF78] =	vst v20  }
0x123: {  	v23 =	vmul.f32 v23, v58;
	[tilespmem:s20+$0xFFFFFF88] =	vst v21  }
0x124: {  	v24 =	vmul.f32 v24, v59;
	[tilespmem:s20+$0xFFFFFF98] =	vst v22  }
0x125: {  	v43 =	vmul.f32 v25, v56;
	[tilespmem:s20+$0xFFFFFFA8] =	vst v23  }
0x126: {  	v44 =	vmul.f32 v26, v55;
	[tilespmem:s20+$0xFFFFFFB8] =	vst v24  }
0x127: {  	v55 =	vmul.f32 v38, v50;
	[tilespmem:s20+$0xFFFFFFC8] =	vst v43  }
0x128: {  	v56 =	vmul.f32 v30, v49;
	[tilespmem:s20+$0xFFFFFFD8] =	vst v44  }
0x129: {  	v13 =	vmul.f32 v13, v61;
	[tilespmem:s20+$0x40] =	vst v55  }
0x12a: {  	v0 =	vmul.f32 v15, v0;
	[tilespmem:s20+$0x50] =	vst v56;
	v6 =	vperm.xlane v6, v8  }
0x12b: {  	[tilespmem:s20+$0xFFFFFEF0] =	vst v13;
	v7 =	vperm.xlane v60, v8  }
0x12c: {  	[tilespmem:s20+$0xFFFFFF10] =	vst v0;
	v5 =	vperm.xlane v5, v8;
	v6 =	vsel vm0, v6, v57  }
0x12d: {  	v10 =	vsel vm0, v7, v46;
	[tilespmem:s20+$0xFFFFFF68] =	vst v6  }
0x12e: {  	v5 =	vsel vm0, v5, v47;
	v46 =	vmul.f32 v28, v54;
	[tilespmem:s20+$0xFFFFFFF0] =	vst v10  }
0x12f: {  	v47 =	vmul.f32 v29, v53;
	[tilespmem:s20+$0x78] =	vst v5  }
0x130: {  	v53 =	vmul.f32 v35, v52;
	[tilespmem:s20+$0x0] =	vst v46  }
0x131: {  	v54 =	vmul.f32 v31, v51;
	[tilespmem:s20+$0x10] =	vst v47  }
0x132: {  	v57 =	vmul.f32 v37, v48;
	[tilespmem:s20+$0x20] =	vst v53  }
0x133: {  	v58 =	vmul.f32 v32, v11;
	[tilespmem:s20+$0x30] =	vst v54  }
0x134: {  	[tilespmem:s20+$0x60] =	vst v57  }
0x135: {  	v0 =	vld [tilespmem:$0x1FFB0];
	[tilespmem:s20+$0x88] =	vst v58  }
0x136: {  	v59 =	vmul.f32 v33, v12;
	v1 =	vld [tilespmem:$0x1FFC0]  }
0x137: {  	v61 =	vmul.f32 v39, v45;
	v60 =	vperm.xlane v27, v9  }
0x138: {  	v62 =	vmul.f32 v40, v42;
	[tilespmem:s20+$0x98] =	vst v59  }
0x139: {  	v63 =	vmul.f32 v41, v60;
	[tilespmem:s20+$0xC8] =	vst v61  }
0x13a: {  	[tilespmem:s20+$0xD8] =	vst v62;
	v0 =	vmul.f32 v34, v0  }
0x13b: {  	[tilespmem:s20+$0xE8] =	vst v63;
	v1 =	vmul.f32 v36, v1  }
0x13c: {  	[tilespmem:s20+$0xA8] =	vst v0  }
0x13d: {  	[tilespmem:s20+$0xB8] =	vst v1;
	s20 =	sand.u32 $0xFF, s0  }
0x13e: {  	p0 =	sgt.u32 s20, $0x11  }
.Ltmp6:
0x13f: {  	s8 =	sadd.s32 $0xA80, s3;
	(pc) =	sbr.rel @!p0 .LBB2_7-.Ltmp6, $4  }
0x140: {  	[spmem:s2] =	stream.indirect.scatter.add.f32 [tilespmem:s19], [sflag:$0x5], $0x88, s8, s16, $0xb8;
	[tilespmem:$0x1FBC0] =	vst v63  }
0x141: {  	_ =	swait.ge [sflag:s14], $0x4400  }
0x142: {  	[sflag:s14] =	ssyncset.done $0x0  }
0x143: {  	v41 =	vimm.s32 $0xE;
	v29 =	vmov v8;
	[sflag:s14] =	ssyncadd.s32 $0xFFFFBC00  }
0x144: {  	p0 =	seq.s32 s30, $0x27  }
0x145: {  	s0 =	sand.u32 @!p0 $0xFF, s0  }
0x146: {  	p1 =	sne.s32 @!p0 s0, $0x12  }
0x147: {  	p0 =	por p0, p1  }
.Ltmp7:
0x148: {  	_ = 	snop;
	(pc) =	sbr.rel @p0 .LBB2_11-.Ltmp7, $4  }
0x149: {  	_ = 	snop  }
0x14a: {  	v7 =	vimm.s32 $0x8  }
0x14b: {  	v8 =	vimm.s32 $0x9;
	v38 =	vimm.s32 $0xA;
	v40 =	vimm.s32 $0xB  }
0x14c: {  	v42 =	vimm.s32 $0xC;
	v32 =	vimm.s32 $0xD;
	v33 =	vimm.s32 $0xF  }
0x14d: {  	s0 =	sadd.s32 $0x2, s31  }
0x14e: {  	s3 =	smulhi.u32 $0x66666667, s0;
	_ =	sdelay $0x1  }
0x14f: {  	s3 =	sshrl.u32 s3, $0x3  }
0x150: {  	s3 =	smul.u32 $0x14, s3;
	_ =	sdelay $0x1  }
0x151: {  	s8 =	sadd.s32 s9, s0;
	s0 =	ssub.s32 s3, s0  }
0x152: {  	s0 =	sadd.s32 s0, s8  }
0x153: {  	s0 =	sshll.u32 s0, $0x4  }
0x154: {  	s0 =	sand.u32 $0x1FFFFFC0, s0  }
0x155: {  	s31 =	sadd.s32 s1, s0  }
0x156: {  	[tilespmem:s4], [sflag:$0x5] =	stream.linear.gather [hbm4b:s31+s4], $0xA00, $0x38;
	[tilespmem:$0x1FBC0] =	vst v63  }
0x157: {  	_ =	swait.ge [sflag:s14], $0xA00  }
0x158: {  	[sflag:s14] =	ssyncset.done $0x0  }
0x159: {  	s0 =	sadd.s32 s7, s0;
	[sflag:s14] =	ssyncadd.s32 $0xFFFFF600  }
0x15a: {  	[tilespmem:s15], [sflag:$0x5] =	stream.linear.gather [hbm4b:s0+s4], $0xA00, $0x38;
	[tilespmem:$0x1FBC0] =	vst v63  }
0x15b: {  	_ =	swait.ge [sflag:s14], $0xA00  }
0x15c: {  	[sflag:s14] =	ssyncset.done $0x0  }
0x15d: {  	[sflag:s14] =	ssyncadd.s32 $0xFFFFF600  }
0x15e: {  	[tilespmem:s17], [sflag:$0x1] =	stream.indirect.gather [hbm4b:s5+s16], $0x88, s4, s16, $0xb8;
	[tilespmem:$0x1FBC0] =	vst v63  }
.Ltmp8:
0x15f: {  	_ = 	snop;
	(pc) =	sbr.rel .LBB2_10-.Ltmp8, $4  }
0x160: {  	_ = 	snop  }
0x161: {  	[tilespmem:s18], [sflag:$0x2] =	stream.indirect.gather [hbm4b:s6+s16], $0x10, s15, s16, $0xb8;
	[tilespmem:$0x1FBC0] =	vst v63  }
0x162: {  	s0 =	simm.s32 $0xA80  }
0x163: {  	[tilespmem:s19], [sflag:$0x3] =	stream.indirect.gather [hbm4b:s5+s16], $0x88, s16, s16, $0xb8;
	[tilespmem:$0x1FBC0] =	vst v63  }
.LBB2_13:
0x164: {  	_ =	sfence.sel $0x180000  }
0x165: {  	[bflag:$0x0] =	sbarrier.arrive $0xFFFF  }
0x166: {  	_ =	strace $0x90000047  }
0x167: {  	s0 =	stileid.u32;
	[bflag:$0x2] =	sbarrier.arrive $0xFFFF  }
0x168: {  	p0 =	sne.s32 s0, $0x0;
	s0 =	rddreg [dreg:$0x3]  }
0x169: {  	s0 =	sadd.s32 @!p0 $0x100000, s0  }
0x16a: {  	[sflag:s0] =	ssyncadd.tile.s32 @!p0 $0x1;
	_ =	shalt  }
.Lfunc_end2:
_tile_overlayer_lowered:
.L_overlay_start_2:
0x16b: {  	(tag) =	ssettag $0x2  }
0x16c: {  	s0 =	rddreg [dreg:$0x0];
	s2 =	stileid.u32  }
0x16d: {  	s1 =	rddreg [dreg:$0x1];
	p0 =	sne.s32 s2, $0x0  }
0x16e: {  	s3 =	rddreg [dreg:$0x2];
	[bflag:$0x3] =	sbarrier.arrive $0xFFFF;
	s2 =	simm.s32 @!p0 $0x1C05  }
0x16f: {  	[timem:s3], [sflag:s2] =	dma.local @!p0 [hbm:s0], s1  }
0x170: {  	s0 =	simm.s32 @!p0 $0x5  }
0x171: {  	_ =	swait.ge @!p0 [sflag:s0], s1  }
0x172: {  	s1 =	ssub.s32 @!p0 $0x0, s1;
	[sflag:s0] =	ssyncset.done @!p0 $0x0  }
0x173: {  	[sflag:s0] =	ssyncadd.s32 @!p0 s1  }
0x174: {  	[bflag:$0x3] =	sbarrier.arrive $0xFFFF  }
0x175: {  	_ =	shalt  }

</sc_bundles>
